<compile_context>
chip_gen: v7x
topology: tpu7x:2x2x1
jax: 0.10.2.dev20260603
libtpu: 0.0.44.dev20260713+nightly
codegen_flags: <defaults>
</compile_context>

<pallas_src>
import functools

import jax
import jax.numpy as jnp
from jax import lax
from jax.experimental import pallas as pl
from jax.experimental.pallas import tpu as pltpu
from jax.experimental.pallas import tpu_sc as plsc

VOCAB = 1000000
D = 64
N = 4096 * 200

NC = 2
NS = 16
NW = NC * NS
ROWS_PER_W = N // NW
SUB = 128
CHUNK = 512
N_SUB = CHUNK // SUB
N_CHUNKS = ROWS_PER_W // CHUNK
N_PAIRS = N_CHUNKS // 2

_LN2 = 0.6931471805599453

_sc_mesh = plsc.VectorSubcoreMesh(core_axis_name="c", subcore_axis_name="s")


def _ln(v):
    bits = plsc.bitcast(v, jnp.int32)
    e = ((bits >> 23) & 0xFF) - 127
    m = plsc.bitcast((bits & 0x007FFFFF) | 0x3F800000, jnp.float32)
    z = (m - 1.0) / (m + 1.0)
    z2 = z * z
    p = 1.0 / 7.0 + z2 * (1.0 / 9.0)
    p = 1.0 / 5.0 + z2 * p
    p = 1.0 / 3.0 + z2 * p
    lnm = 2.0 * z * (1.0 + z2 * p)
    return lnm + e.astype(jnp.float32) * _LN2


@functools.partial(
    pl.kernel,
    mesh=_sc_mesh,
    out_type=(
        jax.ShapeDtypeStruct((N, 128), jnp.float32),
        jax.ShapeDtypeStruct((NW, 16), jnp.float32),
    ),
    scratch_types=[
        [pltpu.VMEM((N_SUB, SUB), jnp.int32) for _ in range(2)],
        [pltpu.VMEM((CHUNK,), jnp.int32) for _ in range(2)],
        [pltpu.VMEM((CHUNK, D), jnp.float32) for _ in range(2)],
        pltpu.VMEM((16,), jnp.float32),
        [pltpu.SemaphoreType.DMA for _ in range(2)],
        [pltpu.SemaphoreType.DMA for _ in range(2)],
    ],
    compiler_params=pltpu.CompilerParams(
        use_tc_tiling_on_sc=False, needs_layout_passes=False),
)
def _sc_embed_ce(idx_hbm, tgt_hbm, table_hbm, out_hbm, part_hbm,
                 idx_v, tgt_v, bufs, accv, sems, semw):
    wid = lax.axis_index("s") * NC + lax.axis_index("c")
    grp0 = wid * (ROWS_PER_W // SUB)
    row0 = wid * ROWS_PER_W
    accv[...] = jnp.zeros((16,), jnp.float32)
    lane = lax.iota(jnp.int32, 16)

    def stage(c, slot):
        g = grp0 + c * N_SUB
        pltpu.sync_copy(idx_hbm.at[pl.ds(g, N_SUB)], idx_v[slot])
        pltpu.sync_copy(tgt_hbm.at[pl.ds(g * SUB, CHUNK)], tgt_v[slot])

    def fire(slot):
        return [
            pltpu.async_copy(
                table_hbm.at[idx_v[slot].at[j]],
                bufs[slot].at[pl.ds(j * SUB, SUB)],
                sems[slot],
            )
            for j in range(N_SUB)
        ]

    def ce(slot):
        buf = bufs[slot]
        tgt = tgt_v[slot]

        def grp_body(gi, carry2):
            r0 = gi * 16
            tgt16 = tgt[pl.ds(r0, 16)]
            s_vec = jnp.zeros((16,), jnp.float32)
            for r in range(16):
                e0 = jnp.exp(buf[r0 + r, pl.ds(0, 16)])
                e1 = jnp.exp(buf[r0 + r, pl.ds(16, 16)])
                e2 = jnp.exp(buf[r0 + r, pl.ds(32, 16)])
                e3 = jnp.exp(buf[r0 + r, pl.ds(48, 16)])
                s = jnp.sum((e0 + e1) + (e2 + e3))
                s_vec = jnp.where(lane == r, s, s_vec)
            picked = plsc.load_gather(buf, [r0 + lane, tgt16])
            accv[...] = accv[...] + (_ln(s_vec) - picked)
            return carry2

        lax.fori_loop(0, CHUNK // 16, grp_body, 0)

    def out_copy(c, slot):
        return pltpu.async_copy(
            bufs[slot],
            out_hbm.at[pl.ds(row0 + c * CHUNK, CHUNK), pl.ds(0, D)],
            semw[slot],
        )

    stage(0, 0)
    fire(0)

    def pair_body(p, carry):
        a = 2 * p
        stage(a + 1, 1)

        @pl.when(p > 0)
        def _():
            pltpu.make_async_copy(
                bufs[1],
                out_hbm.at[pl.ds(row0 + (a - 1) * CHUNK, CHUNK), pl.ds(0, D)],
                semw[1],
            ).wait()

        fire(1)
        for j in range(N_SUB):
            pltpu.make_async_copy(
                table_hbm.at[idx_v[0].at[j]],
                bufs[0].at[pl.ds(j * SUB, SUB)],
                sems[0],
            ).wait()
        ce(0)
        h0 = out_copy(a, 0)

        @pl.when(p < N_PAIRS - 1)
        def _():
            stage(a + 2, 0)
            h0.wait()
            fire(0)

        for j in range(N_SUB):
            pltpu.make_async_copy(
                table_hbm.at[idx_v[1].at[j]],
                bufs[1].at[pl.ds(j * SUB, SUB)],
                sems[1],
            ).wait()
        ce(1)
        out_copy(a + 1, 1)
        return carry

    lax.fori_loop(0, N_PAIRS, pair_body, 0)
    pltpu.make_async_copy(
        bufs[0],
        out_hbm.at[pl.ds(row0 + (N_CHUNKS - 2) * CHUNK, CHUNK), pl.ds(0, D)],
        semw[0],
    ).wait()
    pltpu.make_async_copy(
        bufs[1],
        out_hbm.at[pl.ds(row0 + (N_CHUNKS - 1) * CHUNK, CHUNK), pl.ds(0, D)],
        semw[1],
    ).wait()
    pltpu.sync_copy(accv, part_hbm.at[wid])


_PB = 16384
_PG = -(-VOCAB // _PB)


def _tc_pad_body(wt_ref, out_ref):
    x = wt_ref[...]
    y = jnp.transpose(x, (1, 0))
    out_ref[:, pl.ds(0, D)] = y


_tc_pad = pl.pallas_call(
    _tc_pad_body,
    grid=(_PG,),
    in_specs=[pl.BlockSpec((D, _PB), lambda i: (0, i))],
    out_specs=pl.BlockSpec((_PB, 128), lambda i: (i, 0)),
    out_shape=jax.ShapeDtypeStruct((VOCAB, 128), jnp.float32),
)


def kernel(inputs, targets, wte):
    idx2 = (inputs.astype(jnp.int32).reshape(-1) * 2).reshape(N // SUB, SUB)
    tgt = targets.astype(jnp.int32).reshape(N)
    table = _tc_pad(wte.T).reshape(2 * VOCAB, D)
    logits_pad, partials = _sc_embed_ce(idx2, tgt, table)
    logits2 = logits_pad[:, :D]
    loss = jnp.sum(partials) * (1.0 / N)
    return (logits2, loss)

# --- scband reference (transcript-rebuilt; emitter-appended) ---
"""Pipeline reference for scband-gpt-31233002176521 (READ-ONLY COPY).

The authoritative reference and input builder live on the scoring server;
editing this copy changes nothing except your own understanding.
"""

import jax, jax.numpy as jnp
import numpy as np

VOCAB = 1000000
D_MODEL = 64
B = 4096
L = 200

def setup_inputs(seed: int = 0) -> dict:
    key = jax.random.key(seed)
    k1, k2, k3 = jax.random.split(key, 3)
    inputs = jax.random.randint(k1, (B, L), 0, VOCAB, dtype=jnp.int64 if jax.config.jax_enable_x64 else jnp.int32)
    targets = jax.random.randint(k2, (B, L), 0, D_MODEL, dtype=jnp.int64 if jax.config.jax_enable_x64 else jnp.int32)
    wte = jax.random.normal(k3, (VOCAB, D_MODEL), dtype=jnp.float32) * 0.02
    return {"inputs": inputs, "targets": targets, "wte": wte}

def reference(inputs, targets, wte):
    # logits = self.wte(inputs)  -> embedding gather
    logits = jnp.take(wte, inputs, axis=0)  # [B, L, D]
    b, s, d = logits.shape
    logits2 = logits.reshape(b * s, d)
    t = targets.reshape(b * s)
    # F.cross_entropy(logits, targets) with mean reduction
    logz = jax.nn.logsumexp(logits2, axis=-1)
    picked = jnp.take_along_axis(logits2, t[:, None], axis=1)[:, 0]
    loss = jnp.mean(logz - picked)
    return (logits2, loss)

if __name__ == "__main__":
    import jax
    _d = setup_inputs()
    print(jax.jit(kernel)(*tuple(_d.values())))

</pallas_src>

<mosaic_0001>
#map = affine_map<(d0, d1) -> (0, 0)>
#map1 = affine_map<(d0, d1) -> (0)>
module attributes {stable_mosaic.version = 14 : i64} {
  func.func @_sc_embed_ce(%arg0: i32, %arg1: i32, %arg2: memref<6400x128xi32, #tpu.memory_space<hbm>>, %arg3: memref<819200xi32, #tpu.memory_space<hbm>>, %arg4: memref<2000000x64xf32, #tpu.memory_space<hbm>>, %arg5: memref<819200x128xf32, #tpu.memory_space<hbm>>, %arg6: memref<32x16xf32, #tpu.memory_space<hbm>>, %arg7: memref<4x128xi32, #tpu.memory_space<vmem>>, %arg8: memref<4x128xi32, #tpu.memory_space<vmem>>, %arg9: memref<512xi32, #tpu.memory_space<vmem>>, %arg10: memref<512xi32, #tpu.memory_space<vmem>>, %arg11: memref<512x64xf32, #tpu.memory_space<vmem>>, %arg12: memref<512x64xf32, #tpu.memory_space<vmem>>, %arg13: memref<16xf32, #tpu.memory_space<vmem>>, %arg14: memref<!tpu.dma_semaphore, #tpu.memory_space<semaphore_mem>>, %arg15: memref<!tpu.dma_semaphore, #tpu.memory_space<semaphore_mem>>, %arg16: memref<!tpu.dma_semaphore, #tpu.memory_space<semaphore_mem>>, %arg17: memref<!tpu.dma_semaphore, #tpu.memory_space<semaphore_mem>>) attributes {dimension_semantics = [#tpu.dimension_semantics<core_parallel>, #tpu.dimension_semantics<subcore_parallel>], iteration_bounds = array<i64: 2, 16>, scalar_prefetch = 0 : i64, scratch_operands = 11 : i64, tpu.core_type = #tpu.core_type<sc_vector_subcore>, window_params = [{transform_indices = #map}, {transform_indices = #map1}, {transform_indices = #map}, {transform_indices = #map}, {transform_indices = #map}]} {
    %mul3A = arith.constant 2 : i32
    %mul3A_0 = arith.muli %arg1, %mul3A : i32
    %add3A = arith.addi %mul3A_0, %arg0 : i32
    %mul3A_1 = arith.constant 200 : i32
    %mul3A_2 = arith.muli %add3A, %mul3A_1 : i32
    %mul3A_3 = arith.constant 25600 : i32
    %mul3A_4 = arith.muli %add3A, %mul3A_3 : i32
    %broadcast_in_dim3A = arith.constant 0.000000e+00 : f32
    %broadcast_in_dim3A_5 = vector.broadcast %broadcast_in_dim3A : f32 to vector<16xf32>
    %swap3A = arith.constant 0 : index
    %swap3A_6 = tpu.vector_load %arg13[%swap3A] {strides = array<i32>} : memref<16xf32, #tpu.memory_space<vmem>>, vector<16xf32>,
    tpu.vector_store %arg13[%swap3A], %broadcast_in_dim3A_5 {strides = array<i32>} : memref<16xf32, #tpu.memory_space<vmem>>, vector<16xf32>,
    %iota3A = tpu.iota {dimensions = array<i32: 0>} : vector<16xi32>
    %add3A_7 = arith.constant 0 : i32
    %add3A_8 = arith.addi %mul3A_2, %add3A_7 : i32
    "tpu.region"() ({
      %run_scoped3A = tpu.sem_alloc : memref<!tpu.dma_semaphore, #tpu.memory_space<semaphore_mem>>
      %dma_start3A_66 = arith.constant 0 : i32
      %dma_start3A_67 = tpu.memref_slice %arg2[%add3A_8, %dma_start3A_66] : memref<6400x128xi32, #tpu.memory_space<hbm>> -> memref<4x128xi32, #tpu.memory_space<hbm>>
      %dma_start3A_68 = arith.constant 0 : i32
      %dma_start3A_69 = tpu.memref_slice %arg2[%add3A_8, %dma_start3A_68] : memref<6400x128xi32, #tpu.memory_space<hbm>> -> memref<4x128xi32, #tpu.memory_space<hbm>>
      tpu.enqueue_dma source(%dma_start3A_69 : memref<4x128xi32, #tpu.memory_space<hbm>>) target(%arg7 : memref<4x128xi32, #tpu.memory_space<vmem>>) target_semaphore(%run_scoped3A : memref<!tpu.dma_semaphore, #tpu.memory_space<semaphore_mem>>)
      %dma_wait3A_70 = arith.constant 0 : i32
      %dma_wait3A_71 = tpu.memref_slice %arg2[%add3A_8, %dma_wait3A_70] : memref<6400x128xi32, #tpu.memory_space<hbm>> -> memref<4x128xi32, #tpu.memory_space<hbm>>
      %dma_wait3A_72 = arith.constant 0 : i32
      %dma_wait3A_73 = tpu.memref_slice %arg2[%add3A_8, %dma_wait3A_72] : memref<6400x128xi32, #tpu.memory_space<hbm>> -> memref<4x128xi32, #tpu.memory_space<hbm>>
      tpu.wait_dma2 semaphore(%run_scoped3A : memref<!tpu.dma_semaphore, #tpu.memory_space<semaphore_mem>>) src(%dma_wait3A_73 : memref<4x128xi32, #tpu.memory_space<hbm>>) dst(%arg7 : memref<4x128xi32, #tpu.memory_space<vmem>>)
      tpu.yield
    }) : () -> ()
    %mul3A_9 = arith.constant 128 : i32
    %mul3A_10 = arith.muli %add3A_8, %mul3A_9 : i32
    "tpu.region"() ({
      %run_scoped3A = tpu.sem_alloc : memref<!tpu.dma_semaphore, #tpu.memory_space<semaphore_mem>>
      %dma_start3A_66 = tpu.memref_slice %arg3[%mul3A_10] : memref<819200xi32, #tpu.memory_space<hbm>> -> memref<512xi32, #tpu.memory_space<hbm>>
      %dma_start3A_67 = tpu.memref_slice %arg3[%mul3A_10] : memref<819200xi32, #tpu.memory_space<hbm>> -> memref<512xi32, #tpu.memory_space<hbm>>
      tpu.enqueue_dma source(%dma_start3A_67 : memref<512xi32, #tpu.memory_space<hbm>>) target(%arg9 : memref<512xi32, #tpu.memory_space<vmem>>) target_semaphore(%run_scoped3A : memref<!tpu.dma_semaphore, #tpu.memory_space<semaphore_mem>>)
      %dma_wait3A_68 = tpu.memref_slice %arg3[%mul3A_10] : memref<819200xi32, #tpu.memory_space<hbm>> -> memref<512xi32, #tpu.memory_space<hbm>>
      %dma_wait3A_69 = tpu.memref_slice %arg3[%mul3A_10] : memref<819200xi32, #tpu.memory_space<hbm>> -> memref<512xi32, #tpu.memory_space<hbm>>
      tpu.wait_dma2 semaphore(%run_scoped3A : memref<!tpu.dma_semaphore, #tpu.memory_space<semaphore_mem>>) src(%dma_wait3A_69 : memref<512xi32, #tpu.memory_space<hbm>>) dst(%arg9 : memref<512xi32, #tpu.memory_space<vmem>>)
      tpu.yield
    }) : () -> ()
    %dma_start3A = arith.constant 0 : i32
    %dma_start3A_11 = arith.constant 0 : i32
    %dma_start3A_12 = arith.constant 0 : i32
    %dma_start3A_13 = tpu.memref_slice %arg11[%dma_start3A_11, %dma_start3A_12] : memref<512x64xf32, #tpu.memory_space<vmem>> -> memref<128x64xf32, #tpu.memory_space<vmem>>
    %dma_start3A_14 = arith.constant 0 : i32
    %dma_start3A_15 = tpu.memref_slice %arg7[%dma_start3A, %dma_start3A_14] : memref<4x128xi32, #tpu.memory_space<vmem>> -> memref<1x128xi32, #tpu.memory_space<vmem>>
    %dma_start3A_16 = tpu.memref_squeeze %dma_start3A_15 : memref<1x128xi32, #tpu.memory_space<vmem>> -> memref<128xi32, #tpu.memory_space<vmem>>
    %dma_start3A_17 = arith.constant 0 : i32
    %dma_start3A_18 = arith.constant 0 : i32
    %dma_start3A_19 = tpu.memref_slice %arg4[%dma_start3A_17, %dma_start3A_18] : memref<2000000x64xf32, #tpu.memory_space<hbm>> -> memref<2000000x64xf32, #tpu.memory_space<hbm>>
    tpu.enqueue_indirect_dma source(%dma_start3A_19 : memref<2000000x64xf32, #tpu.memory_space<hbm>>) target(%dma_start3A_13 : memref<128x64xf32, #tpu.memory_space<vmem>>) offsets(%dma_start3A_16 : memref<128xi32, #tpu.memory_space<vmem>>) semaphore(%arg14 : memref<!tpu.dma_semaphore, #tpu.memory_space<semaphore_mem>>)
    %dma_start3A_20 = arith.constant 1 : i32
    %dma_start3A_21 = arith.constant 128 : i32
    %dma_start3A_22 = arith.constant 0 : i32
    %dma_start3A_23 = tpu.memref_slice %arg11[%dma_start3A_21, %dma_start3A_22] : memref<512x64xf32, #tpu.memory_space<vmem>> -> memref<128x64xf32, #tpu.memory_space<vmem>>
    %dma_start3A_24 = arith.constant 0 : i32
    %dma_start3A_25 = tpu.memref_slice %arg7[%dma_start3A_20, %dma_start3A_24] : memref<4x128xi32, #tpu.memory_space<vmem>> -> memref<1x128xi32, #tpu.memory_space<vmem>>
    %dma_start3A_26 = tpu.memref_squeeze %dma_start3A_25 : memref<1x128xi32, #tpu.memory_space<vmem>> -> memref<128xi32, #tpu.memory_space<vmem>>
    %dma_start3A_27 = arith.constant 0 : i32
    %dma_start3A_28 = arith.constant 0 : i32
    %dma_start3A_29 = tpu.memref_slice %arg4[%dma_start3A_27, %dma_start3A_28] : memref<2000000x64xf32, #tpu.memory_space<hbm>> -> memref<2000000x64xf32, #tpu.memory_space<hbm>>
    tpu.enqueue_indirect_dma source(%dma_start3A_29 : memref<2000000x64xf32, #tpu.memory_space<hbm>>) target(%dma_start3A_23 : memref<128x64xf32, #tpu.memory_space<vmem>>) offsets(%dma_start3A_26 : memref<128xi32, #tpu.memory_space<vmem>>) semaphore(%arg14 : memref<!tpu.dma_semaphore, #tpu.memory_space<semaphore_mem>>)
    %dma_start3A_30 = arith.constant 2 : i32
    %dma_start3A_31 = arith.constant 256 : i32
    %dma_start3A_32 = arith.constant 0 : i32
    %dma_start3A_33 = tpu.memref_slice %arg11[%dma_start3A_31, %dma_start3A_32] : memref<512x64xf32, #tpu.memory_space<vmem>> -> memref<128x64xf32, #tpu.memory_space<vmem>>
    %dma_start3A_34 = arith.constant 0 : i32
    %dma_start3A_35 = tpu.memref_slice %arg7[%dma_start3A_30, %dma_start3A_34] : memref<4x128xi32, #tpu.memory_space<vmem>> -> memref<1x128xi32, #tpu.memory_space<vmem>>
    %dma_start3A_36 = tpu.memref_squeeze %dma_start3A_35 : memref<1x128xi32, #tpu.memory_space<vmem>> -> memref<128xi32, #tpu.memory_space<vmem>>
    %dma_start3A_37 = arith.constant 0 : i32
    %dma_start3A_38 = arith.constant 0 : i32
    %dma_start3A_39 = tpu.memref_slice %arg4[%dma_start3A_37, %dma_start3A_38] : memref<2000000x64xf32, #tpu.memory_space<hbm>> -> memref<2000000x64xf32, #tpu.memory_space<hbm>>
    tpu.enqueue_indirect_dma source(%dma_start3A_39 : memref<2000000x64xf32, #tpu.memory_space<hbm>>) target(%dma_start3A_33 : memref<128x64xf32, #tpu.memory_space<vmem>>) offsets(%dma_start3A_36 : memref<128xi32, #tpu.memory_space<vmem>>) semaphore(%arg14 : memref<!tpu.dma_semaphore, #tpu.memory_space<semaphore_mem>>)
    %dma_start3A_40 = arith.constant 3 : i32
    %dma_start3A_41 = arith.constant 384 : i32
    %dma_start3A_42 = arith.constant 0 : i32
    %dma_start3A_43 = tpu.memref_slice %arg11[%dma_start3A_41, %dma_start3A_42] : memref<512x64xf32, #tpu.memory_space<vmem>> -> memref<128x64xf32, #tpu.memory_space<vmem>>
    %dma_start3A_44 = arith.constant 0 : i32
    %dma_start3A_45 = tpu.memref_slice %arg7[%dma_start3A_40, %dma_start3A_44] : memref<4x128xi32, #tpu.memory_space<vmem>> -> memref<1x128xi32, #tpu.memory_space<vmem>>
    %dma_start3A_46 = tpu.memref_squeeze %dma_start3A_45 : memref<1x128xi32, #tpu.memory_space<vmem>> -> memref<128xi32, #tpu.memory_space<vmem>>
    %dma_start3A_47 = arith.constant 0 : i32
    %dma_start3A_48 = arith.constant 0 : i32
    %dma_start3A_49 = tpu.memref_slice %arg4[%dma_start3A_47, %dma_start3A_48] : memref<2000000x64xf32, #tpu.memory_space<hbm>> -> memref<2000000x64xf32, #tpu.memory_space<hbm>>
    tpu.enqueue_indirect_dma source(%dma_start3A_49 : memref<2000000x64xf32, #tpu.memory_space<hbm>>) target(%dma_start3A_43 : memref<128x64xf32, #tpu.memory_space<vmem>>) offsets(%dma_start3A_46 : memref<128xi32, #tpu.memory_space<vmem>>) semaphore(%arg14 : memref<!tpu.dma_semaphore, #tpu.memory_space<semaphore_mem>>)
    %scan3A = arith.constant 0 : i32
    %scan3A_50 = arith.constant 0 : i32
    %scan3A_51 = arith.constant 25 : i32
    %scan3A_52 = arith.addi %scan3A_50, %scan3A_51 : i32
    %scan3A_53 = arith.constant 1 : i32
    scf.for %scan3A_66 = %scan3A_50 to %scan3A_52 step %scan3A_53  : i32 {
      %mul3A_67 = arith.constant 2 : i32
      %mul3A_68 = arith.muli %mul3A_67, %scan3A_66 : i32
      %add3A_69 = arith.constant 1 : i32
      %add3A_70 = arith.addi %mul3A_68, %add3A_69 : i32
      %mul3A_71 = arith.constant 4 : i32
      %mul3A_72 = arith.muli %add3A_70, %mul3A_71 : i32
      %add3A_73 = arith.addi %mul3A_2, %mul3A_72 : i32
      "tpu.region"() ({
        %run_scoped3A = tpu.sem_alloc : memref<!tpu.dma_semaphore, #tpu.memory_space<semaphore_mem>>
        %dma_start3A_230 = arith.constant 0 : i32
        %dma_start3A_231 = tpu.memref_slice %arg2[%add3A_73, %dma_start3A_230] : memref<6400x128xi32, #tpu.memory_space<hbm>> -> memref<4x128xi32, #tpu.memory_space<hbm>>
        %dma_start3A_232 = arith.constant 0 : i32
        %dma_start3A_233 = tpu.memref_slice %arg2[%add3A_73, %dma_start3A_232] : memref<6400x128xi32, #tpu.memory_space<hbm>> -> memref<4x128xi32, #tpu.memory_space<hbm>>
        tpu.enqueue_dma source(%dma_start3A_233 : memref<4x128xi32, #tpu.memory_space<hbm>>) target(%arg8 : memref<4x128xi32, #tpu.memory_space<vmem>>) target_semaphore(%run_scoped3A : memref<!tpu.dma_semaphore, #tpu.memory_space<semaphore_mem>>)
        %dma_wait3A_234 = arith.constant 0 : i32
        %dma_wait3A_235 = tpu.memref_slice %arg2[%add3A_73, %dma_wait3A_234] : memref<6400x128xi32, #tpu.memory_space<hbm>> -> memref<4x128xi32, #tpu.memory_space<hbm>>
        %dma_wait3A_236 = arith.constant 0 : i32
        %dma_wait3A_237 = tpu.memref_slice %arg2[%add3A_73, %dma_wait3A_236] : memref<6400x128xi32, #tpu.memory_space<hbm>> -> memref<4x128xi32, #tpu.memory_space<hbm>>
        tpu.wait_dma2 semaphore(%run_scoped3A : memref<!tpu.dma_semaphore, #tpu.memory_space<semaphore_mem>>) src(%dma_wait3A_237 : memref<4x128xi32, #tpu.memory_space<hbm>>) dst(%arg8 : memref<4x128xi32, #tpu.memory_space<vmem>>)
        tpu.yield
      }) : () -> ()
      %mul3A_74 = arith.constant 128 : i32
      %mul3A_75 = arith.muli %add3A_73, %mul3A_74 : i32
      "tpu.region"() ({
        %run_scoped3A = tpu.sem_alloc : memref<!tpu.dma_semaphore, #tpu.memory_space<semaphore_mem>>
        %dma_start3A_230 = tpu.memref_slice %arg3[%mul3A_75] : memref<819200xi32, #tpu.memory_space<hbm>> -> memref<512xi32, #tpu.memory_space<hbm>>
        %dma_start3A_231 = tpu.memref_slice %arg3[%mul3A_75] : memref<819200xi32, #tpu.memory_space<hbm>> -> memref<512xi32, #tpu.memory_space<hbm>>
        tpu.enqueue_dma source(%dma_start3A_231 : memref<512xi32, #tpu.memory_space<hbm>>) target(%arg10 : memref<512xi32, #tpu.memory_space<vmem>>) target_semaphore(%run_scoped3A : memref<!tpu.dma_semaphore, #tpu.memory_space<semaphore_mem>>)
        %dma_wait3A_232 = tpu.memref_slice %arg3[%mul3A_75] : memref<819200xi32, #tpu.memory_space<hbm>> -> memref<512xi32, #tpu.memory_space<hbm>>
        %dma_wait3A_233 = tpu.memref_slice %arg3[%mul3A_75] : memref<819200xi32, #tpu.memory_space<hbm>> -> memref<512xi32, #tpu.memory_space<hbm>>
        tpu.wait_dma2 semaphore(%run_scoped3A : memref<!tpu.dma_semaphore, #tpu.memory_space<semaphore_mem>>) src(%dma_wait3A_233 : memref<512xi32, #tpu.memory_space<hbm>>) dst(%arg10 : memref<512xi32, #tpu.memory_space<vmem>>)
        tpu.yield
      }) : () -> ()
      %gt3A = arith.constant 0 : i32
      %gt3A_76 = arith.cmpi sgt, %scan3A_66, %gt3A : i32
      %convert_element_type3A = arith.extui %gt3A_76 : i1 to i32
      %cond3A = arith.constant 0 : i32
      %cond3A_77 = arith.cmpi ne, %convert_element_type3A, %cond3A : i32
      scf.if %cond3A_77 {
        %sub3A = arith.constant 1 : i32
        %sub3A_230 = arith.subi %mul3A_68, %sub3A : i32
        %mul3A_231 = arith.constant 512 : i32
        %mul3A_232 = arith.muli %sub3A_230, %mul3A_231 : i32
        %add3A_233 = arith.addi %mul3A_4, %mul3A_232 : i32
        %dma_wait3A_234 = arith.constant 0 : i32
        %dma_wait3A_235 = tpu.memref_slice %arg5[%add3A_233, %dma_wait3A_234] : memref<819200x128xf32, #tpu.memory_space<hbm>> -> memref<512x64xf32, #tpu.memory_space<hbm>>
        %dma_wait3A_236 = arith.constant 0 : i32
        %dma_wait3A_237 = tpu.memref_slice %arg5[%add3A_233, %dma_wait3A_236] : memref<819200x128xf32, #tpu.memory_space<hbm>> -> memref<512x64xf32, #tpu.memory_space<hbm>>
        tpu.wait_dma2 semaphore(%arg17 : memref<!tpu.dma_semaphore, #tpu.memory_space<semaphore_mem>>) src(%arg12 : memref<512x64xf32, #tpu.memory_space<vmem>>) dst(%dma_wait3A_237 : memref<512x64xf32, #tpu.memory_space<hbm>>)
      } else {
      }
      %dma_start3A_78 = arith.constant 0 : i32
      %dma_start3A_79 = arith.constant 0 : i32
      %dma_start3A_80 = arith.constant 0 : i32
      %dma_start3A_81 = tpu.memref_slice %arg12[%dma_start3A_79, %dma_start3A_80] : memref<512x64xf32, #tpu.memory_space<vmem>> -> memref<128x64xf32, #tpu.memory_space<vmem>>
      %dma_start3A_82 = arith.constant 0 : i32
      %dma_start3A_83 = tpu.memref_slice %arg8[%dma_start3A_78, %dma_start3A_82] : memref<4x128xi32, #tpu.memory_space<vmem>> -> memref<1x128xi32, #tpu.memory_space<vmem>>
      %dma_start3A_84 = tpu.memref_squeeze %dma_start3A_83 : memref<1x128xi32, #tpu.memory_space<vmem>> -> memref<128xi32, #tpu.memory_space<vmem>>
      %dma_start3A_85 = arith.constant 0 : i32
      %dma_start3A_86 = arith.constant 0 : i32
      %dma_start3A_87 = tpu.memref_slice %arg4[%dma_start3A_85, %dma_start3A_86] : memref<2000000x64xf32, #tpu.memory_space<hbm>> -> memref<2000000x64xf32, #tpu.memory_space<hbm>>
      tpu.enqueue_indirect_dma source(%dma_start3A_87 : memref<2000000x64xf32, #tpu.memory_space<hbm>>) target(%dma_start3A_81 : memref<128x64xf32, #tpu.memory_space<vmem>>) offsets(%dma_start3A_84 : memref<128xi32, #tpu.memory_space<vmem>>) semaphore(%arg15 : memref<!tpu.dma_semaphore, #tpu.memory_space<semaphore_mem>>)
      %dma_start3A_88 = arith.constant 1 : i32
      %dma_start3A_89 = arith.constant 128 : i32
      %dma_start3A_90 = arith.constant 0 : i32
      %dma_start3A_91 = tpu.memref_slice %arg12[%dma_start3A_89, %dma_start3A_90] : memref<512x64xf32, #tpu.memory_space<vmem>> -> memref<128x64xf32, #tpu.memory_space<vmem>>
      %dma_start3A_92 = arith.constant 0 : i32
      %dma_start3A_93 = tpu.memref_slice %arg8[%dma_start3A_88, %dma_start3A_92] : memref<4x128xi32, #tpu.memory_space<vmem>> -> memref<1x128xi32, #tpu.memory_space<vmem>>
      %dma_start3A_94 = tpu.memref_squeeze %dma_start3A_93 : memref<1x128xi32, #tpu.memory_space<vmem>> -> memref<128xi32, #tpu.memory_space<vmem>>
      %dma_start3A_95 = arith.constant 0 : i32
      %dma_start3A_96 = arith.constant 0 : i32
      %dma_start3A_97 = tpu.memref_slice %arg4[%dma_start3A_95, %dma_start3A_96] : memref<2000000x64xf32, #tpu.memory_space<hbm>> -> memref<2000000x64xf32, #tpu.memory_space<hbm>>
      tpu.enqueue_indirect_dma source(%dma_start3A_97 : memref<2000000x64xf32, #tpu.memory_space<hbm>>) target(%dma_start3A_91 : memref<128x64xf32, #tpu.memory_space<vmem>>) offsets(%dma_start3A_94 : memref<128xi32, #tpu.memory_space<vmem>>) semaphore(%arg15 : memref<!tpu.dma_semaphore, #tpu.memory_space<semaphore_mem>>)
      %dma_start3A_98 = arith.constant 2 : i32
      %dma_start3A_99 = arith.constant 256 : i32
      %dma_start3A_100 = arith.constant 0 : i32
      %dma_start3A_101 = tpu.memref_slice %arg12[%dma_start3A_99, %dma_start3A_100] : memref<512x64xf32, #tpu.memory_space<vmem>> -> memref<128x64xf32, #tpu.memory_space<vmem>>
      %dma_start3A_102 = arith.constant 0 : i32
      %dma_start3A_103 = tpu.memref_slice %arg8[%dma_start3A_98, %dma_start3A_102] : memref<4x128xi32, #tpu.memory_space<vmem>> -> memref<1x128xi32, #tpu.memory_space<vmem>>
      %dma_start3A_104 = tpu.memref_squeeze %dma_start3A_103 : memref<1x128xi32, #tpu.memory_space<vmem>> -> memref<128xi32, #tpu.memory_space<vmem>>
      %dma_start3A_105 = arith.constant 0 : i32
      %dma_start3A_106 = arith.constant 0 : i32
      %dma_start3A_107 = tpu.memref_slice %arg4[%dma_start3A_105, %dma_start3A_106] : memref<2000000x64xf32, #tpu.memory_space<hbm>> -> memref<2000000x64xf32, #tpu.memory_space<hbm>>
      tpu.enqueue_indirect_dma source(%dma_start3A_107 : memref<2000000x64xf32, #tpu.memory_space<hbm>>) target(%dma_start3A_101 : memref<128x64xf32, #tpu.memory_space<vmem>>) offsets(%dma_start3A_104 : memref<128xi32, #tpu.memory_space<vmem>>) semaphore(%arg15 : memref<!tpu.dma_semaphore, #tpu.memory_space<semaphore_mem>>)
      %dma_start3A_108 = arith.constant 3 : i32
      %dma_start3A_109 = arith.constant 384 : i32
      %dma_start3A_110 = arith.constant 0 : i32
      %dma_start3A_111 = tpu.memref_slice %arg12[%dma_start3A_109, %dma_start3A_110] : memref<512x64xf32, #tpu.memory_space<vmem>> -> memref<128x64xf32, #tpu.memory_space<vmem>>
      %dma_start3A_112 = arith.constant 0 : i32
      %dma_start3A_113 = tpu.memref_slice %arg8[%dma_start3A_108, %dma_start3A_112] : memref<4x128xi32, #tpu.memory_space<vmem>> -> memref<1x128xi32, #tpu.memory_space<vmem>>
      %dma_start3A_114 = tpu.memref_squeeze %dma_start3A_113 : memref<1x128xi32, #tpu.memory_space<vmem>> -> memref<128xi32, #tpu.memory_space<vmem>>
      %dma_start3A_115 = arith.constant 0 : i32
      %dma_start3A_116 = arith.constant 0 : i32
      %dma_start3A_117 = tpu.memref_slice %arg4[%dma_start3A_115, %dma_start3A_116] : memref<2000000x64xf32, #tpu.memory_space<hbm>> -> memref<2000000x64xf32, #tpu.memory_space<hbm>>
      tpu.enqueue_indirect_dma source(%dma_start3A_117 : memref<2000000x64xf32, #tpu.memory_space<hbm>>) target(%dma_start3A_111 : memref<128x64xf32, #tpu.memory_space<vmem>>) offsets(%dma_start3A_114 : memref<128xi32, #tpu.memory_space<vmem>>) semaphore(%arg15 : memref<!tpu.dma_semaphore, #tpu.memory_space<semaphore_mem>>)
      %dma_wait3A_118 = arith.constant 0 : i32
      %dma_wait3A_119 = arith.constant 0 : i32
      %dma_wait3A_120 = arith.constant 0 : i32
      %dma_wait3A_121 = tpu.memref_slice %arg11[%dma_wait3A_119, %dma_wait3A_120] : memref<512x64xf32, #tpu.memory_space<vmem>> -> memref<128x64xf32, #tpu.memory_space<vmem>>
      %dma_wait3A_122 = arith.constant 0 : i32
      %dma_wait3A_123 = tpu.memref_slice %arg7[%dma_wait3A_118, %dma_wait3A_122] : memref<4x128xi32, #tpu.memory_space<vmem>> -> memref<1x128xi32, #tpu.memory_space<vmem>>
      %dma_wait3A_124 = tpu.memref_squeeze %dma_wait3A_123 : memref<1x128xi32, #tpu.memory_space<vmem>> -> memref<128xi32, #tpu.memory_space<vmem>>
      %dma_wait3A_125 = arith.constant 0 : i32
      %dma_wait3A_126 = arith.constant 0 : i32
      %dma_wait3A_127 = tpu.memref_slice %arg4[%dma_wait3A_125, %dma_wait3A_126] : memref<2000000x64xf32, #tpu.memory_space<hbm>> -> memref<2000000x64xf32, #tpu.memory_space<hbm>>
      tpu.wait_indirect_dma semaphore(%arg14 : memref<!tpu.dma_semaphore, #tpu.memory_space<semaphore_mem>>) src(%dma_wait3A_127 : memref<2000000x64xf32, #tpu.memory_space<hbm>>) dst(%dma_wait3A_121 : memref<128x64xf32, #tpu.memory_space<vmem>>)
      %dma_wait3A_128 = arith.constant 1 : i32
      %dma_wait3A_129 = arith.constant 128 : i32
      %dma_wait3A_130 = arith.constant 0 : i32
      %dma_wait3A_131 = tpu.memref_slice %arg11[%dma_wait3A_129, %dma_wait3A_130] : memref<512x64xf32, #tpu.memory_space<vmem>> -> memref<128x64xf32, #tpu.memory_space<vmem>>
      %dma_wait3A_132 = arith.constant 0 : i32
      %dma_wait3A_133 = tpu.memref_slice %arg7[%dma_wait3A_128, %dma_wait3A_132] : memref<4x128xi32, #tpu.memory_space<vmem>> -> memref<1x128xi32, #tpu.memory_space<vmem>>
      %dma_wait3A_134 = tpu.memref_squeeze %dma_wait3A_133 : memref<1x128xi32, #tpu.memory_space<vmem>> -> memref<128xi32, #tpu.memory_space<vmem>>
      %dma_wait3A_135 = arith.constant 0 : i32
      %dma_wait3A_136 = arith.constant 0 : i32
      %dma_wait3A_137 = tpu.memref_slice %arg4[%dma_wait3A_135, %dma_wait3A_136] : memref<2000000x64xf32, #tpu.memory_space<hbm>> -> memref<2000000x64xf32, #tpu.memory_space<hbm>>
      tpu.wait_indirect_dma semaphore(%arg14 : memref<!tpu.dma_semaphore, #tpu.memory_space<semaphore_mem>>) src(%dma_wait3A_137 : memref<2000000x64xf32, #tpu.memory_space<hbm>>) dst(%dma_wait3A_131 : memref<128x64xf32, #tpu.memory_space<vmem>>)
      %dma_wait3A_138 = arith.constant 2 : i32
      %dma_wait3A_139 = arith.constant 256 : i32
      %dma_wait3A_140 = arith.constant 0 : i32
      %dma_wait3A_141 = tpu.memref_slice %arg11[%dma_wait3A_139, %dma_wait3A_140] : memref<512x64xf32, #tpu.memory_space<vmem>> -> memref<128x64xf32, #tpu.memory_space<vmem>>
      %dma_wait3A_142 = arith.constant 0 : i32
      %dma_wait3A_143 = tpu.memref_slice %arg7[%dma_wait3A_138, %dma_wait3A_142] : memref<4x128xi32, #tpu.memory_space<vmem>> -> memref<1x128xi32, #tpu.memory_space<vmem>>
      %dma_wait3A_144 = tpu.memref_squeeze %dma_wait3A_143 : memref<1x128xi32, #tpu.memory_space<vmem>> -> memref<128xi32, #tpu.memory_space<vmem>>
      %dma_wait3A_145 = arith.constant 0 : i32
      %dma_wait3A_146 = arith.constant 0 : i32
      %dma_wait3A_147 = tpu.memref_slice %arg4[%dma_wait3A_145, %dma_wait3A_146] : memref<2000000x64xf32, #tpu.memory_space<hbm>> -> memref<2000000x64xf32, #tpu.memory_space<hbm>>
      tpu.wait_indirect_dma semaphore(%arg14 : memref<!tpu.dma_semaphore, #tpu.memory_space<semaphore_mem>>) src(%dma_wait3A_147 : memref<2000000x64xf32, #tpu.memory_space<hbm>>) dst(%dma_wait3A_141 : memref<128x64xf32, #tpu.memory_space<vmem>>)
      %dma_wait3A_148 = arith.constant 3 : i32
      %dma_wait3A_149 = arith.constant 384 : i32
      %dma_wait3A_150 = arith.constant 0 : i32
      %dma_wait3A_151 = tpu.memref_slice %arg11[%dma_wait3A_149, %dma_wait3A_150] : memref<512x64xf32, #tpu.memory_space<vmem>> -> memref<128x64xf32, #tpu.memory_space<vmem>>
      %dma_wait3A_152 = arith.constant 0 : i32
      %dma_wait3A_153 = tpu.memref_slice %arg7[%dma_wait3A_148, %dma_wait3A_152] : memref<4x128xi32, #tpu.memory_space<vmem>> -> memref<1x128xi32, #tpu.memory_space<vmem>>
      %dma_wait3A_154 = tpu.memref_squeeze %dma_wait3A_153 : memref<1x128xi32, #tpu.memory_space<vmem>> -> memref<128xi32, #tpu.memory_space<vmem>>
      %dma_wait3A_155 = arith.constant 0 : i32
      %dma_wait3A_156 = arith.constant 0 : i32
      %dma_wait3A_157 = tpu.memref_slice %arg4[%dma_wait3A_155, %dma_wait3A_156] : memref<2000000x64xf32, #tpu.memory_space<hbm>> -> memref<2000000x64xf32, #tpu.memory_space<hbm>>
      tpu.wait_indirect_dma semaphore(%arg14 : memref<!tpu.dma_semaphore, #tpu.memory_space<semaphore_mem>>) src(%dma_wait3A_157 : memref<2000000x64xf32, #tpu.memory_space<hbm>>) dst(%dma_wait3A_151 : memref<128x64xf32, #tpu.memory_space<vmem>>)
      %scan3A_158 = arith.constant 0 : i32
      %scan3A_159 = arith.constant 0 : i32
      %scan3A_160 = arith.constant 32 : i32
      %scan3A_161 = arith.addi %scan3A_159, %scan3A_160 : i32
      %scan3A_162 = arith.constant 1 : i32
      scf.for %scan3A_230 = %scan3A_159 to %scan3A_161 step %scan3A_162  : i32 {
        %mul3A_231 = arith.constant 16 : i32
        %mul3A_232 = arith.muli %scan3A_230, %mul3A_231 : i32
        %get3A = arith.index_cast %mul3A_232 : i32 to index
        %get3A_233 = tpu.vector_load %arg9[%get3A] {strides = array<i32>} : memref<512xi32, #tpu.memory_space<vmem>>, vector<16xi32>,
        %broadcast_in_dim3A_234 = arith.constant 0.000000e+00 : f32
        %broadcast_in_dim3A_235 = vector.broadcast %broadcast_in_dim3A_234 : f32 to vector<16xf32>
        %add3A_236 = arith.constant 0 : i32
        %add3A_237 = arith.addi %mul3A_232, %add3A_236 : i32
        %get3A_238 = arith.index_cast %add3A_237 : i32 to index
        %get3A_239 = arith.constant 0 : index
        %get3A_240 = tpu.vector_load %arg11[%get3A_238, %get3A_239] {strides = array<i32>} : memref<512x64xf32, #tpu.memory_space<vmem>>, vector<16xf32>,
        %exp3A = math.exp %get3A_240 : vector<16xf32>
        %add3A_241 = arith.constant 0 : i32
        %add3A_242 = arith.addi %mul3A_232, %add3A_241 : i32
        %get3A_243 = arith.index_cast %add3A_242 : i32 to index
        %get3A_244 = arith.constant 16 : index
        %get3A_245 = tpu.vector_load %arg11[%get3A_243, %get3A_244] {strides = array<i32>} : memref<512x64xf32, #tpu.memory_space<vmem>>, vector<16xf32>,
        %exp3A_246 = math.exp %get3A_245 : vector<16xf32>
        %add3A_247 = arith.constant 0 : i32
        %add3A_248 = arith.addi %mul3A_232, %add3A_247 : i32
        %get3A_249 = arith.index_cast %add3A_248 : i32 to index
        %get3A_250 = arith.constant 32 : index
        %get3A_251 = tpu.vector_load %arg11[%get3A_249, %get3A_250] {strides = array<i32>} : memref<512x64xf32, #tpu.memory_space<vmem>>, vector<16xf32>,
        %exp3A_252 = math.exp %get3A_251 : vector<16xf32>
        %add3A_253 = arith.constant 0 : i32
        %add3A_254 = arith.addi %mul3A_232, %add3A_253 : i32
        %get3A_255 = arith.index_cast %add3A_254 : i32 to index
        %get3A_256 = arith.constant 48 : index
        %get3A_257 = tpu.vector_load %arg11[%get3A_255, %get3A_256] {strides = array<i32>} : memref<512x64xf32, #tpu.memory_space<vmem>>, vector<16xf32>,
        %exp3A_258 = math.exp %get3A_257 : vector<16xf32>
        %add3A_259 = arith.addf %exp3A, %exp3A_246 : vector<16xf32>
        %add3A_260 = arith.addf %exp3A_252, %exp3A_258 : vector<16xf32>
        %add3A_261 = arith.addf %add3A_259, %add3A_260 : vector<16xf32>
        %reduce_sum3A = arith.constant true
        %reduce_sum3A_262 = vector.broadcast %reduce_sum3A : i1 to vector<16xi1>
        %reduce_sum3A_263 = tpu.scan <sum>, %add3A_261 masked %reduce_sum3A_262 : vector<16xf32>, vector<16xi1> -> vector<16xf32>
        %reduce_sum3A_264 = vector.extract %reduce_sum3A_263[15] : f32 from vector<16xf32>
        %eq3A = arith.constant 0 : i32
        %eq3A_265 = vector.broadcast %eq3A : i32 to vector<16xi32>
        %eq3A_266 = arith.cmpi eq, %iota3A, %eq3A_265 : vector<16xi32>
        %broadcast_in_dim3A_267 = vector.broadcast %reduce_sum3A_264 : f32 to vector<16xf32>
        %select_n3A = arith.select %eq3A_266, %broadcast_in_dim3A_267, %broadcast_in_dim3A_235 : vector<16xi1>, vector<16xf32>
        %add3A_268 = arith.constant 1 : i32
        %add3A_269 = arith.addi %mul3A_232, %add3A_268 : i32
        %get3A_270 = arith.index_cast %add3A_269 : i32 to index
        %get3A_271 = arith.constant 0 : index
        %get3A_272 = tpu.vector_load %arg11[%get3A_270, %get3A_271] {strides = array<i32>} : memref<512x64xf32, #tpu.memory_space<vmem>>, vector<16xf32>,
        %exp3A_273 = math.exp %get3A_272 : vector<16xf32>
        %add3A_274 = arith.constant 1 : i32
        %add3A_275 = arith.addi %mul3A_232, %add3A_274 : i32
        %get3A_276 = arith.index_cast %add3A_275 : i32 to index
        %get3A_277 = arith.constant 16 : index
        %get3A_278 = tpu.vector_load %arg11[%get3A_276, %get3A_277] {strides = array<i32>} : memref<512x64xf32, #tpu.memory_space<vmem>>, vector<16xf32>,
        %exp3A_279 = math.exp %get3A_278 : vector<16xf32>
        %add3A_280 = arith.constant 1 : i32
        %add3A_281 = arith.addi %mul3A_232, %add3A_280 : i32
        %get3A_282 = arith.index_cast %add3A_281 : i32 to index
        %get3A_283 = arith.constant 32 : index
        %get3A_284 = tpu.vector_load %arg11[%get3A_282, %get3A_283] {strides = array<i32>} : memref<512x64xf32, #tpu.memory_space<vmem>>, vector<16xf32>,
        %exp3A_285 = math.exp %get3A_284 : vector<16xf32>
        %add3A_286 = arith.constant 1 : i32
        %add3A_287 = arith.addi %mul3A_232, %add3A_286 : i32
        %get3A_288 = arith.index_cast %add3A_287 : i32 to index
        %get3A_289 = arith.constant 48 : index
        %get3A_290 = tpu.vector_load %arg11[%get3A_288, %get3A_289] {strides = array<i32>} : memref<512x64xf32, #tpu.memory_space<vmem>>, vector<16xf32>,
        %exp3A_291 = math.exp %get3A_290 : vector<16xf32>
        %add3A_292 = arith.addf %exp3A_273, %exp3A_279 : vector<16xf32>
        %add3A_293 = arith.addf %exp3A_285, %exp3A_291 : vector<16xf32>
        %add3A_294 = arith.addf %add3A_292, %add3A_293 : vector<16xf32>
        %reduce_sum3A_295 = arith.constant true
        %reduce_sum3A_296 = vector.broadcast %reduce_sum3A_295 : i1 to vector<16xi1>
        %reduce_sum3A_297 = tpu.scan <sum>, %add3A_294 masked %reduce_sum3A_296 : vector<16xf32>, vector<16xi1> -> vector<16xf32>
        %reduce_sum3A_298 = vector.extract %reduce_sum3A_297[15] : f32 from vector<16xf32>
        %eq3A_299 = arith.constant 1 : i32
        %eq3A_300 = vector.broadcast %eq3A_299 : i32 to vector<16xi32>
        %eq3A_301 = arith.cmpi eq, %iota3A, %eq3A_300 : vector<16xi32>
        %broadcast_in_dim3A_302 = vector.broadcast %reduce_sum3A_298 : f32 to vector<16xf32>
        %select_n3A_303 = arith.select %eq3A_301, %broadcast_in_dim3A_302, %select_n3A : vector<16xi1>, vector<16xf32>
        %add3A_304 = arith.constant 2 : i32
        %add3A_305 = arith.addi %mul3A_232, %add3A_304 : i32
        %get3A_306 = arith.index_cast %add3A_305 : i32 to index
        %get3A_307 = arith.constant 0 : index
        %get3A_308 = tpu.vector_load %arg11[%get3A_306, %get3A_307] {strides = array<i32>} : memref<512x64xf32, #tpu.memory_space<vmem>>, vector<16xf32>,
        %exp3A_309 = math.exp %get3A_308 : vector<16xf32>
        %add3A_310 = arith.constant 2 : i32
        %add3A_311 = arith.addi %mul3A_232, %add3A_310 : i32
        %get3A_312 = arith.index_cast %add3A_311 : i32 to index
        %get3A_313 = arith.constant 16 : index
        %get3A_314 = tpu.vector_load %arg11[%get3A_312, %get3A_313] {strides = array<i32>} : memref<512x64xf32, #tpu.memory_space<vmem>>, vector<16xf32>,
        %exp3A_315 = math.exp %get3A_314 : vector<16xf32>
        %add3A_316 = arith.constant 2 : i32
        %add3A_317 = arith.addi %mul3A_232, %add3A_316 : i32
        %get3A_318 = arith.index_cast %add3A_317 : i32 to index
        %get3A_319 = arith.constant 32 : index
        %get3A_320 = tpu.vector_load %arg11[%get3A_318, %get3A_319] {strides = array<i32>} : memref<512x64xf32, #tpu.memory_space<vmem>>, vector<16xf32>,
        %exp3A_321 = math.exp %get3A_320 : vector<16xf32>
        %add3A_322 = arith.constant 2 : i32
        %add3A_323 = arith.addi %mul3A_232, %add3A_322 : i32
        %get3A_324 = arith.index_cast %add3A_323 : i32 to index
        %get3A_325 = arith.constant 48 : index
        %get3A_326 = tpu.vector_load %arg11[%get3A_324, %get3A_325] {strides = array<i32>} : memref<512x64xf32, #tpu.memory_space<vmem>>, vector<16xf32>,
        %exp3A_327 = math.exp %get3A_326 : vector<16xf32>
        %add3A_328 = arith.addf %exp3A_309, %exp3A_315 : vector<16xf32>
        %add3A_329 = arith.addf %exp3A_321, %exp3A_327 : vector<16xf32>
        %add3A_330 = arith.addf %add3A_328, %add3A_329 : vector<16xf32>
        %reduce_sum3A_331 = arith.constant true
        %reduce_sum3A_332 = vector.broadcast %reduce_sum3A_331 : i1 to vector<16xi1>
        %reduce_sum3A_333 = tpu.scan <sum>, %add3A_330 masked %reduce_sum3A_332 : vector<16xf32>, vector<16xi1> -> vector<16xf32>
        %reduce_sum3A_334 = vector.extract %reduce_sum3A_333[15] : f32 from vector<16xf32>
        %eq3A_335 = arith.constant 2 : i32
        %eq3A_336 = vector.broadcast %eq3A_335 : i32 to vector<16xi32>
        %eq3A_337 = arith.cmpi eq, %iota3A, %eq3A_336 : vector<16xi32>
        %broadcast_in_dim3A_338 = vector.broadcast %reduce_sum3A_334 : f32 to vector<16xf32>
        %select_n3A_339 = arith.select %eq3A_337, %broadcast_in_dim3A_338, %select_n3A_303 : vector<16xi1>, vector<16xf32>
        %add3A_340 = arith.constant 3 : i32
        %add3A_341 = arith.addi %mul3A_232, %add3A_340 : i32
        %get3A_342 = arith.index_cast %add3A_341 : i32 to index
        %get3A_343 = arith.constant 0 : index
        %get3A_344 = tpu.vector_load %arg11[%get3A_342, %get3A_343] {strides = array<i32>} : memref<512x64xf32, #tpu.memory_space<vmem>>, vector<16xf32>,
        %exp3A_345 = math.exp %get3A_344 : vector<16xf32>
        %add3A_346 = arith.constant 3 : i32
        %add3A_347 = arith.addi %mul3A_232, %add3A_346 : i32
        %get3A_348 = arith.index_cast %add3A_347 : i32 to index
        %get3A_349 = arith.constant 16 : index
        %get3A_350 = tpu.vector_load %arg11[%get3A_348, %get3A_349] {strides = array<i32>} : memref<512x64xf32, #tpu.memory_space<vmem>>, vector<16xf32>,
        %exp3A_351 = math.exp %get3A_350 : vector<16xf32>
        %add3A_352 = arith.constant 3 : i32
        %add3A_353 = arith.addi %mul3A_232, %add3A_352 : i32
        %get3A_354 = arith.index_cast %add3A_353 : i32 to index
        %get3A_355 = arith.constant 32 : index
        %get3A_356 = tpu.vector_load %arg11[%get3A_354, %get3A_355] {strides = array<i32>} : memref<512x64xf32, #tpu.memory_space<vmem>>, vector<16xf32>,
        %exp3A_357 = math.exp %get3A_356 : vector<16xf32>
        %add3A_358 = arith.constant 3 : i32
        %add3A_359 = arith.addi %mul3A_232, %add3A_358 : i32
        %get3A_360 = arith.index_cast %add3A_359 : i32 to index
        %get3A_361 = arith.constant 48 : index
        %get3A_362 = tpu.vector_load %arg11[%get3A_360, %get3A_361] {strides = array<i32>} : memref<512x64xf32, #tpu.memory_space<vmem>>, vector<16xf32>,
        %exp3A_363 = math.exp %get3A_362 : vector<16xf32>
        %add3A_364 = arith.addf %exp3A_345, %exp3A_351 : vector<16xf32>
        %add3A_365 = arith.addf %exp3A_357, %exp3A_363 : vector<16xf32>
        %add3A_366 = arith.addf %add3A_364, %add3A_365 : vector<16xf32>
        %reduce_sum3A_367 = arith.constant true
        %reduce_sum3A_368 = vector.broadcast %reduce_sum3A_367 : i1 to vector<16xi1>
        %reduce_sum3A_369 = tpu.scan <sum>, %add3A_366 masked %reduce_sum3A_368 : vector<16xf32>, vector<16xi1> -> vector<16xf32>
        %reduce_sum3A_370 = vector.extract %reduce_sum3A_369[15] : f32 from vector<16xf32>
        %eq3A_371 = arith.constant 3 : i32
        %eq3A_372 = vector.broadcast %eq3A_371 : i32 to vector<16xi32>
        %eq3A_373 = arith.cmpi eq, %iota3A, %eq3A_372 : vector<16xi32>
        %broadcast_in_dim3A_374 = vector.broadcast %reduce_sum3A_370 : f32 to vector<16xf32>
        %select_n3A_375 = arith.select %eq3A_373, %broadcast_in_dim3A_374, %select_n3A_339 : vector<16xi1>, vector<16xf32>
        %add3A_376 = arith.constant 4 : i32
        %add3A_377 = arith.addi %mul3A_232, %add3A_376 : i32
        %get3A_378 = arith.index_cast %add3A_377 : i32 to index
        %get3A_379 = arith.constant 0 : index
        %get3A_380 = tpu.vector_load %arg11[%get3A_378, %get3A_379] {strides = array<i32>} : memref<512x64xf32, #tpu.memory_space<vmem>>, vector<16xf32>,
        %exp3A_381 = math.exp %get3A_380 : vector<16xf32>
        %add3A_382 = arith.constant 4 : i32
        %add3A_383 = arith.addi %mul3A_232, %add3A_382 : i32
        %get3A_384 = arith.index_cast %add3A_383 : i32 to index
        %get3A_385 = arith.constant 16 : index
        %get3A_386 = tpu.vector_load %arg11[%get3A_384, %get3A_385] {strides = array<i32>} : memref<512x64xf32, #tpu.memory_space<vmem>>, vector<16xf32>,
        %exp3A_387 = math.exp %get3A_386 : vector<16xf32>
        %add3A_388 = arith.constant 4 : i32
        %add3A_389 = arith.addi %mul3A_232, %add3A_388 : i32
        %get3A_390 = arith.index_cast %add3A_389 : i32 to index
        %get3A_391 = arith.constant 32 : index
        %get3A_392 = tpu.vector_load %arg11[%get3A_390, %get3A_391] {strides = array<i32>} : memref<512x64xf32, #tpu.memory_space<vmem>>, vector<16xf32>,
        %exp3A_393 = math.exp %get3A_392 : vector<16xf32>
        %add3A_394 = arith.constant 4 : i32
        %add3A_395 = arith.addi %mul3A_232, %add3A_394 : i32
        %get3A_396 = arith.index_cast %add3A_395 : i32 to index
        %get3A_397 = arith.constant 48 : index
        %get3A_398 = tpu.vector_load %arg11[%get3A_396, %get3A_397] {strides = array<i32>} : memref<512x64xf32, #tpu.memory_space<vmem>>, vector<16xf32>,
        %exp3A_399 = math.exp %get3A_398 : vector<16xf32>
        %add3A_400 = arith.addf %exp3A_381, %exp3A_387 : vector<16xf32>
        %add3A_401 = arith.addf %exp3A_393, %exp3A_399 : vector<16xf32>
        %add3A_402 = arith.addf %add3A_400, %add3A_401 : vector<16xf32>
        %reduce_sum3A_403 = arith.constant true
        %reduce_sum3A_404 = vector.broadcast %reduce_sum3A_403 : i1 to vector<16xi1>
        %reduce_sum3A_405 = tpu.scan <sum>, %add3A_402 masked %reduce_sum3A_404 : vector<16xf32>, vector<16xi1> -> vector<16xf32>
        %reduce_sum3A_406 = vector.extract %reduce_sum3A_405[15] : f32 from vector<16xf32>
        %eq3A_407 = arith.constant 4 : i32
        %eq3A_408 = vector.broadcast %eq3A_407 : i32 to vector<16xi32>
        %eq3A_409 = arith.cmpi eq, %iota3A, %eq3A_408 : vector<16xi32>
        %broadcast_in_dim3A_410 = vector.broadcast %reduce_sum3A_406 : f32 to vector<16xf32>
        %select_n3A_411 = arith.select %eq3A_409, %broadcast_in_dim3A_410, %select_n3A_375 : vector<16xi1>, vector<16xf32>
        %add3A_412 = arith.constant 5 : i32
        %add3A_413 = arith.addi %mul3A_232, %add3A_412 : i32
        %get3A_414 = arith.index_cast %add3A_413 : i32 to index
        %get3A_415 = arith.constant 0 : index
        %get3A_416 = tpu.vector_load %arg11[%get3A_414, %get3A_415] {strides = array<i32>} : memref<512x64xf32, #tpu.memory_space<vmem>>, vector<16xf32>,
        %exp3A_417 = math.exp %get3A_416 : vector<16xf32>
        %add3A_418 = arith.constant 5 : i32
        %add3A_419 = arith.addi %mul3A_232, %add3A_418 : i32
        %get3A_420 = arith.index_cast %add3A_419 : i32 to index
        %get3A_421 = arith.constant 16 : index
        %get3A_422 = tpu.vector_load %arg11[%get3A_420, %get3A_421] {strides = array<i32>} : memref<512x64xf32, #tpu.memory_space<vmem>>, vector<16xf32>,
        %exp3A_423 = math.exp %get3A_422 : vector<16xf32>
        %add3A_424 = arith.constant 5 : i32
        %add3A_425 = arith.addi %mul3A_232, %add3A_424 : i32
        %get3A_426 = arith.index_cast %add3A_425 : i32 to index
        %get3A_427 = arith.constant 32 : index
        %get3A_428 = tpu.vector_load %arg11[%get3A_426, %get3A_427] {strides = array<i32>} : memref<512x64xf32, #tpu.memory_space<vmem>>, vector<16xf32>,
        %exp3A_429 = math.exp %get3A_428 : vector<16xf32>
        %add3A_430 = arith.constant 5 : i32
        %add3A_431 = arith.addi %mul3A_232, %add3A_430 : i32
        %get3A_432 = arith.index_cast %add3A_431 : i32 to index
        %get3A_433 = arith.constant 48 : index
        %get3A_434 = tpu.vector_load %arg11[%get3A_432, %get3A_433] {strides = array<i32>} : memref<512x64xf32, #tpu.memory_space<vmem>>, vector<16xf32>,
        %exp3A_435 = math.exp %get3A_434 : vector<16xf32>
        %add3A_436 = arith.addf %exp3A_417, %exp3A_423 : vector<16xf32>
        %add3A_437 = arith.addf %exp3A_429, %exp3A_435 : vector<16xf32>
        %add3A_438 = arith.addf %add3A_436, %add3A_437 : vector<16xf32>
        %reduce_sum3A_439 = arith.constant true
        %reduce_sum3A_440 = vector.broadcast %reduce_sum3A_439 : i1 to vector<16xi1>
        %reduce_sum3A_441 = tpu.scan <sum>, %add3A_438 masked %reduce_sum3A_440 : vector<16xf32>, vector<16xi1> -> vector<16xf32>
        %reduce_sum3A_442 = vector.extract %reduce_sum3A_441[15] : f32 from vector<16xf32>
        %eq3A_443 = arith.constant 5 : i32
        %eq3A_444 = vector.broadcast %eq3A_443 : i32 to vector<16xi32>
        %eq3A_445 = arith.cmpi eq, %iota3A, %eq3A_444 : vector<16xi32>
        %broadcast_in_dim3A_446 = vector.broadcast %reduce_sum3A_442 : f32 to vector<16xf32>
        %select_n3A_447 = arith.select %eq3A_445, %broadcast_in_dim3A_446, %select_n3A_411 : vector<16xi1>, vector<16xf32>
        %add3A_448 = arith.constant 6 : i32
        %add3A_449 = arith.addi %mul3A_232, %add3A_448 : i32
        %get3A_450 = arith.index_cast %add3A_449 : i32 to index
        %get3A_451 = arith.constant 0 : index
        %get3A_452 = tpu.vector_load %arg11[%get3A_450, %get3A_451] {strides = array<i32>} : memref<512x64xf32, #tpu.memory_space<vmem>>, vector<16xf32>,
        %exp3A_453 = math.exp %get3A_452 : vector<16xf32>
        %add3A_454 = arith.constant 6 : i32
        %add3A_455 = arith.addi %mul3A_232, %add3A_454 : i32
        %get3A_456 = arith.index_cast %add3A_455 : i32 to index
        %get3A_457 = arith.constant 16 : index
        %get3A_458 = tpu.vector_load %arg11[%get3A_456, %get3A_457] {strides = array<i32>} : memref<512x64xf32, #tpu.memory_space<vmem>>, vector<16xf32>,
        %exp3A_459 = math.exp %get3A_458 : vector<16xf32>
        %add3A_460 = arith.constant 6 : i32
        %add3A_461 = arith.addi %mul3A_232, %add3A_460 : i32
        %get3A_462 = arith.index_cast %add3A_461 : i32 to index
        %get3A_463 = arith.constant 32 : index
        %get3A_464 = tpu.vector_load %arg11[%get3A_462, %get3A_463] {strides = array<i32>} : memref<512x64xf32, #tpu.memory_space<vmem>>, vector<16xf32>,
        %exp3A_465 = math.exp %get3A_464 : vector<16xf32>
        %add3A_466 = arith.constant 6 : i32
        %add3A_467 = arith.addi %mul3A_232, %add3A_466 : i32
        %get3A_468 = arith.index_cast %add3A_467 : i32 to index
        %get3A_469 = arith.constant 48 : index
        %get3A_470 = tpu.vector_load %arg11[%get3A_468, %get3A_469] {strides = array<i32>} : memref<512x64xf32, #tpu.memory_space<vmem>>, vector<16xf32>,
        %exp3A_471 = math.exp %get3A_470 : vector<16xf32>
        %add3A_472 = arith.addf %exp3A_453, %exp3A_459 : vector<16xf32>
        %add3A_473 = arith.addf %exp3A_465, %exp3A_471 : vector<16xf32>
        %add3A_474 = arith.addf %add3A_472, %add3A_473 : vector<16xf32>
        %reduce_sum3A_475 = arith.constant true
        %reduce_sum3A_476 = vector.broadcast %reduce_sum3A_475 : i1 to vector<16xi1>
        %reduce_sum3A_477 = tpu.scan <sum>, %add3A_474 masked %reduce_sum3A_476 : vector<16xf32>, vector<16xi1> -> vector<16xf32>
        %reduce_sum3A_478 = vector.extract %reduce_sum3A_477[15] : f32 from vector<16xf32>
        %eq3A_479 = arith.constant 6 : i32
        %eq3A_480 = vector.broadcast %eq3A_479 : i32 to vector<16xi32>
        %eq3A_481 = arith.cmpi eq, %iota3A, %eq3A_480 : vector<16xi32>
        %broadcast_in_dim3A_482 = vector.broadcast %reduce_sum3A_478 : f32 to vector<16xf32>
        %select_n3A_483 = arith.select %eq3A_481, %broadcast_in_dim3A_482, %select_n3A_447 : vector<16xi1>, vector<16xf32>
        %add3A_484 = arith.constant 7 : i32
        %add3A_485 = arith.addi %mul3A_232, %add3A_484 : i32
        %get3A_486 = arith.index_cast %add3A_485 : i32 to index
        %get3A_487 = arith.constant 0 : index
        %get3A_488 = tpu.vector_load %arg11[%get3A_486, %get3A_487] {strides = array<i32>} : memref<512x64xf32, #tpu.memory_space<vmem>>, vector<16xf32>,
        %exp3A_489 = math.exp %get3A_488 : vector<16xf32>
        %add3A_490 = arith.constant 7 : i32
        %add3A_491 = arith.addi %mul3A_232, %add3A_490 : i32
        %get3A_492 = arith.index_cast %add3A_491 : i32 to index
        %get3A_493 = arith.constant 16 : index
        %get3A_494 = tpu.vector_load %arg11[%get3A_492, %get3A_493] {strides = array<i32>} : memref<512x64xf32, #tpu.memory_space<vmem>>, vector<16xf32>,
        %exp3A_495 = math.exp %get3A_494 : vector<16xf32>
        %add3A_496 = arith.constant 7 : i32
        %add3A_497 = arith.addi %mul3A_232, %add3A_496 : i32
        %get3A_498 = arith.index_cast %add3A_497 : i32 to index
        %get3A_499 = arith.constant 32 : index
        %get3A_500 = tpu.vector_load %arg11[%get3A_498, %get3A_499] {strides = array<i32>} : memref<512x64xf32, #tpu.memory_space<vmem>>, vector<16xf32>,
        %exp3A_501 = math.exp %get3A_500 : vector<16xf32>
        %add3A_502 = arith.constant 7 : i32
        %add3A_503 = arith.addi %mul3A_232, %add3A_502 : i32
        %get3A_504 = arith.index_cast %add3A_503 : i32 to index
        %get3A_505 = arith.constant 48 : index
        %get3A_506 = tpu.vector_load %arg11[%get3A_504, %get3A_505] {strides = array<i32>} : memref<512x64xf32, #tpu.memory_space<vmem>>, vector<16xf32>,
        %exp3A_507 = math.exp %get3A_506 : vector<16xf32>
        %add3A_508 = arith.addf %exp3A_489, %exp3A_495 : vector<16xf32>
        %add3A_509 = arith.addf %exp3A_501, %exp3A_507 : vector<16xf32>
        %add3A_510 = arith.addf %add3A_508, %add3A_509 : vector<16xf32>
        %reduce_sum3A_511 = arith.constant true
        %reduce_sum3A_512 = vector.broadcast %reduce_sum3A_511 : i1 to vector<16xi1>
        %reduce_sum3A_513 = tpu.scan <sum>, %add3A_510 masked %reduce_sum3A_512 : vector<16xf32>, vector<16xi1> -> vector<16xf32>
        %reduce_sum3A_514 = vector.extract %reduce_sum3A_513[15] : f32 from vector<16xf32>
        %eq3A_515 = arith.constant 7 : i32
        %eq3A_516 = vector.broadcast %eq3A_515 : i32 to vector<16xi32>
        %eq3A_517 = arith.cmpi eq, %iota3A, %eq3A_516 : vector<16xi32>
        %broadcast_in_dim3A_518 = vector.broadcast %reduce_sum3A_514 : f32 to vector<16xf32>
        %select_n3A_519 = arith.select %eq3A_517, %broadcast_in_dim3A_518, %select_n3A_483 : vector<16xi1>, vector<16xf32>
        %add3A_520 = arith.constant 8 : i32
        %add3A_521 = arith.addi %mul3A_232, %add3A_520 : i32
        %get3A_522 = arith.index_cast %add3A_521 : i32 to index
        %get3A_523 = arith.constant 0 : index
        %get3A_524 = tpu.vector_load %arg11[%get3A_522, %get3A_523] {strides = array<i32>} : memref<512x64xf32, #tpu.memory_space<vmem>>, vector<16xf32>,
        %exp3A_525 = math.exp %get3A_524 : vector<16xf32>
        %add3A_526 = arith.constant 8 : i32
        %add3A_527 = arith.addi %mul3A_232, %add3A_526 : i32
        %get3A_528 = arith.index_cast %add3A_527 : i32 to index
        %get3A_529 = arith.constant 16 : index
        %get3A_530 = tpu.vector_load %arg11[%get3A_528, %get3A_529] {strides = array<i32>} : memref<512x64xf32, #tpu.memory_space<vmem>>, vector<16xf32>,
        %exp3A_531 = math.exp %get3A_530 : vector<16xf32>
        %add3A_532 = arith.constant 8 : i32
        %add3A_533 = arith.addi %mul3A_232, %add3A_532 : i32
        %get3A_534 = arith.index_cast %add3A_533 : i32 to index
        %get3A_535 = arith.constant 32 : index
        %get3A_536 = tpu.vector_load %arg11[%get3A_534, %get3A_535] {strides = array<i32>} : memref<512x64xf32, #tpu.memory_space<vmem>>, vector<16xf32>,
        %exp3A_537 = math.exp %get3A_536 : vector<16xf32>
        %add3A_538 = arith.constant 8 : i32
        %add3A_539 = arith.addi %mul3A_232, %add3A_538 : i32
        %get3A_540 = arith.index_cast %add3A_539 : i32 to index
        %get3A_541 = arith.constant 48 : index
        %get3A_542 = tpu.vector_load %arg11[%get3A_540, %get3A_541] {strides = array<i32>} : memref<512x64xf32, #tpu.memory_space<vmem>>, vector<16xf32>,
        %exp3A_543 = math.exp %get3A_542 : vector<16xf32>
        %add3A_544 = arith.addf %exp3A_525, %exp3A_531 : vector<16xf32>
        %add3A_545 = arith.addf %exp3A_537, %exp3A_543 : vector<16xf32>
        %add3A_546 = arith.addf %add3A_544, %add3A_545 : vector<16xf32>
        %reduce_sum3A_547 = arith.constant true
        %reduce_sum3A_548 = vector.broadcast %reduce_sum3A_547 : i1 to vector<16xi1>
        %reduce_sum3A_549 = tpu.scan <sum>, %add3A_546 masked %reduce_sum3A_548 : vector<16xf32>, vector<16xi1> -> vector<16xf32>
        %reduce_sum3A_550 = vector.extract %reduce_sum3A_549[15] : f32 from vector<16xf32>
        %eq3A_551 = arith.constant 8 : i32
        %eq3A_552 = vector.broadcast %eq3A_551 : i32 to vector<16xi32>
        %eq3A_553 = arith.cmpi eq, %iota3A, %eq3A_552 : vector<16xi32>
        %broadcast_in_dim3A_554 = vector.broadcast %reduce_sum3A_550 : f32 to vector<16xf32>
        %select_n3A_555 = arith.select %eq3A_553, %broadcast_in_dim3A_554, %select_n3A_519 : vector<16xi1>, vector<16xf32>
        %add3A_556 = arith.constant 9 : i32
        %add3A_557 = arith.addi %mul3A_232, %add3A_556 : i32
        %get3A_558 = arith.index_cast %add3A_557 : i32 to index
        %get3A_559 = arith.constant 0 : index
        %get3A_560 = tpu.vector_load %arg11[%get3A_558, %get3A_559] {strides = array<i32>} : memref<512x64xf32, #tpu.memory_space<vmem>>, vector<16xf32>,
        %exp3A_561 = math.exp %get3A_560 : vector<16xf32>
        %add3A_562 = arith.constant 9 : i32
        %add3A_563 = arith.addi %mul3A_232, %add3A_562 : i32
        %get3A_564 = arith.index_cast %add3A_563 : i32 to index
        %get3A_565 = arith.constant 16 : index
        %get3A_566 = tpu.vector_load %arg11[%get3A_564, %get3A_565] {strides = array<i32>} : memref<512x64xf32, #tpu.memory_space<vmem>>, vector<16xf32>,
        %exp3A_567 = math.exp %get3A_566 : vector<16xf32>
        %add3A_568 = arith.constant 9 : i32
        %add3A_569 = arith.addi %mul3A_232, %add3A_568 : i32
        %get3A_570 = arith.index_cast %add3A_569 : i32 to index
        %get3A_571 = arith.constant 32 : index
        %get3A_572 = tpu.vector_load %arg11[%get3A_570, %get3A_571] {strides = array<i32>} : memref<512x64xf32, #tpu.memory_space<vmem>>, vector<16xf32>,
        %exp3A_573 = math.exp %get3A_572 : vector<16xf32>
        %add3A_574 = arith.constant 9 : i32
        %add3A_575 = arith.addi %mul3A_232, %add3A_574 : i32
        %get3A_576 = arith.index_cast %add3A_575 : i32 to index
        %get3A_577 = arith.constant 48 : index
        %get3A_578 = tpu.vector_load %arg11[%get3A_576, %get3A_577] {strides = array<i32>} : memref<512x64xf32, #tpu.memory_space<vmem>>, vector<16xf32>,
        %exp3A_579 = math.exp %get3A_578 : vector<16xf32>
        %add3A_580 = arith.addf %exp3A_561, %exp3A_567 : vector<16xf32>
        %add3A_581 = arith.addf %exp3A_573, %exp3A_579 : vector<16xf32>
        %add3A_582 = arith.addf %add3A_580, %add3A_581 : vector<16xf32>
        %reduce_sum3A_583 = arith.constant true
        %reduce_sum3A_584 = vector.broadcast %reduce_sum3A_583 : i1 to vector<16xi1>
        %reduce_sum3A_585 = tpu.scan <sum>, %add3A_582 masked %reduce_sum3A_584 : vector<16xf32>, vector<16xi1> -> vector<16xf32>
        %reduce_sum3A_586 = vector.extract %reduce_sum3A_585[15] : f32 from vector<16xf32>
        %eq3A_587 = arith.constant 9 : i32
        %eq3A_588 = vector.broadcast %eq3A_587 : i32 to vector<16xi32>
        %eq3A_589 = arith.cmpi eq, %iota3A, %eq3A_588 : vector<16xi32>
        %broadcast_in_dim3A_590 = vector.broadcast %reduce_sum3A_586 : f32 to vector<16xf32>
        %select_n3A_591 = arith.select %eq3A_589, %broadcast_in_dim3A_590, %select_n3A_555 : vector<16xi1>, vector<16xf32>
        %add3A_592 = arith.constant 10 : i32
        %add3A_593 = arith.addi %mul3A_232, %add3A_592 : i32
        %get3A_594 = arith.index_cast %add3A_593 : i32 to index
        %get3A_595 = arith.constant 0 : index
        %get3A_596 = tpu.vector_load %arg11[%get3A_594, %get3A_595] {strides = array<i32>} : memref<512x64xf32, #tpu.memory_space<vmem>>, vector<16xf32>,
        %exp3A_597 = math.exp %get3A_596 : vector<16xf32>
        %add3A_598 = arith.constant 10 : i32
        %add3A_599 = arith.addi %mul3A_232, %add3A_598 : i32
        %get3A_600 = arith.index_cast %add3A_599 : i32 to index
        %get3A_601 = arith.constant 16 : index
        %get3A_602 = tpu.vector_load %arg11[%get3A_600, %get3A_601] {strides = array<i32>} : memref<512x64xf32, #tpu.memory_space<vmem>>, vector<16xf32>,
        %exp3A_603 = math.exp %get3A_602 : vector<16xf32>
        %add3A_604 = arith.constant 10 : i32
        %add3A_605 = arith.addi %mul3A_232, %add3A_604 : i32
        %get3A_606 = arith.index_cast %add3A_605 : i32 to index
        %get3A_607 = arith.constant 32 : index
        %get3A_608 = tpu.vector_load %arg11[%get3A_606, %get3A_607] {strides = array<i32>} : memref<512x64xf32, #tpu.memory_space<vmem>>, vector<16xf32>,
        %exp3A_609 = math.exp %get3A_608 : vector<16xf32>
        %add3A_610 = arith.constant 10 : i32
        %add3A_611 = arith.addi %mul3A_232, %add3A_610 : i32
        %get3A_612 = arith.index_cast %add3A_611 : i32 to index
        %get3A_613 = arith.constant 48 : index
        %get3A_614 = tpu.vector_load %arg11[%get3A_612, %get3A_613] {strides = array<i32>} : memref<512x64xf32, #tpu.memory_space<vmem>>, vector<16xf32>,
        %exp3A_615 = math.exp %get3A_614 : vector<16xf32>
        %add3A_616 = arith.addf %exp3A_597, %exp3A_603 : vector<16xf32>
        %add3A_617 = arith.addf %exp3A_609, %exp3A_615 : vector<16xf32>
        %add3A_618 = arith.addf %add3A_616, %add3A_617 : vector<16xf32>
        %reduce_sum3A_619 = arith.constant true
        %reduce_sum3A_620 = vector.broadcast %reduce_sum3A_619 : i1 to vector<16xi1>
        %reduce_sum3A_621 = tpu.scan <sum>, %add3A_618 masked %reduce_sum3A_620 : vector<16xf32>, vector<16xi1> -> vector<16xf32>
        %reduce_sum3A_622 = vector.extract %reduce_sum3A_621[15] : f32 from vector<16xf32>
        %eq3A_623 = arith.constant 10 : i32
        %eq3A_624 = vector.broadcast %eq3A_623 : i32 to vector<16xi32>
        %eq3A_625 = arith.cmpi eq, %iota3A, %eq3A_624 : vector<16xi32>
        %broadcast_in_dim3A_626 = vector.broadcast %reduce_sum3A_622 : f32 to vector<16xf32>
        %select_n3A_627 = arith.select %eq3A_625, %broadcast_in_dim3A_626, %select_n3A_591 : vector<16xi1>, vector<16xf32>
        %add3A_628 = arith.constant 11 : i32
        %add3A_629 = arith.addi %mul3A_232, %add3A_628 : i32
        %get3A_630 = arith.index_cast %add3A_629 : i32 to index
        %get3A_631 = arith.constant 0 : index
        %get3A_632 = tpu.vector_load %arg11[%get3A_630, %get3A_631] {strides = array<i32>} : memref<512x64xf32, #tpu.memory_space<vmem>>, vector<16xf32>,
        %exp3A_633 = math.exp %get3A_632 : vector<16xf32>
        %add3A_634 = arith.constant 11 : i32
        %add3A_635 = arith.addi %mul3A_232, %add3A_634 : i32
        %get3A_636 = arith.index_cast %add3A_635 : i32 to index
        %get3A_637 = arith.constant 16 : index
        %get3A_638 = tpu.vector_load %arg11[%get3A_636, %get3A_637] {strides = array<i32>} : memref<512x64xf32, #tpu.memory_space<vmem>>, vector<16xf32>,
        %exp3A_639 = math.exp %get3A_638 : vector<16xf32>
        %add3A_640 = arith.constant 11 : i32
        %add3A_641 = arith.addi %mul3A_232, %add3A_640 : i32
        %get3A_642 = arith.index_cast %add3A_641 : i32 to index
        %get3A_643 = arith.constant 32 : index
        %get3A_644 = tpu.vector_load %arg11[%get3A_642, %get3A_643] {strides = array<i32>} : memref<512x64xf32, #tpu.memory_space<vmem>>, vector<16xf32>,
        %exp3A_645 = math.exp %get3A_644 : vector<16xf32>
        %add3A_646 = arith.constant 11 : i32
        %add3A_647 = arith.addi %mul3A_232, %add3A_646 : i32
        %get3A_648 = arith.index_cast %add3A_647 : i32 to index
        %get3A_649 = arith.constant 48 : index
        %get3A_650 = tpu.vector_load %arg11[%get3A_648, %get3A_649] {strides = array<i32>} : memref<512x64xf32, #tpu.memory_space<vmem>>, vector<16xf32>,
        %exp3A_651 = math.exp %get3A_650 : vector<16xf32>
        %add3A_652 = arith.addf %exp3A_633, %exp3A_639 : vector<16xf32>
        %add3A_653 = arith.addf %exp3A_645, %exp3A_651 : vector<16xf32>
        %add3A_654 = arith.addf %add3A_652, %add3A_653 : vector<16xf32>
        %reduce_sum3A_655 = arith.constant true
        %reduce_sum3A_656 = vector.broadcast %reduce_sum3A_655 : i1 to vector<16xi1>
        %reduce_sum3A_657 = tpu.scan <sum>, %add3A_654 masked %reduce_sum3A_656 : vector<16xf32>, vector<16xi1> -> vector<16xf32>
        %reduce_sum3A_658 = vector.extract %reduce_sum3A_657[15] : f32 from vector<16xf32>
        %eq3A_659 = arith.constant 11 : i32
        %eq3A_660 = vector.broadcast %eq3A_659 : i32 to vector<16xi32>
        %eq3A_661 = arith.cmpi eq, %iota3A, %eq3A_660 : vector<16xi32>
        %broadcast_in_dim3A_662 = vector.broadcast %reduce_sum3A_658 : f32 to vector<16xf32>
        %select_n3A_663 = arith.select %eq3A_661, %broadcast_in_dim3A_662, %select_n3A_627 : vector<16xi1>, vector<16xf32>
        %add3A_664 = arith.constant 12 : i32
        %add3A_665 = arith.addi %mul3A_232, %add3A_664 : i32
        %get3A_666 = arith.index_cast %add3A_665 : i32 to index
        %get3A_667 = arith.constant 0 : index
        %get3A_668 = tpu.vector_load %arg11[%get3A_666, %get3A_667] {strides = array<i32>} : memref<512x64xf32, #tpu.memory_space<vmem>>, vector<16xf32>,
        %exp3A_669 = math.exp %get3A_668 : vector<16xf32>
        %add3A_670 = arith.constant 12 : i32
        %add3A_671 = arith.addi %mul3A_232, %add3A_670 : i32
        %get3A_672 = arith.index_cast %add3A_671 : i32 to index
        %get3A_673 = arith.constant 16 : index
        %get3A_674 = tpu.vector_load %arg11[%get3A_672, %get3A_673] {strides = array<i32>} : memref<512x64xf32, #tpu.memory_space<vmem>>, vector<16xf32>,
        %exp3A_675 = math.exp %get3A_674 : vector<16xf32>
        %add3A_676 = arith.constant 12 : i32
        %add3A_677 = arith.addi %mul3A_232, %add3A_676 : i32
        %get3A_678 = arith.index_cast %add3A_677 : i32 to index
        %get3A_679 = arith.constant 32 : index
        %get3A_680 = tpu.vector_load %arg11[%get3A_678, %get3A_679] {strides = array<i32>} : memref<512x64xf32, #tpu.memory_space<vmem>>, vector<16xf32>,
        %exp3A_681 = math.exp %get3A_680 : vector<16xf32>
        %add3A_682 = arith.constant 12 : i32
        %add3A_683 = arith.addi %mul3A_232, %add3A_682 : i32
        %get3A_684 = arith.index_cast %add3A_683 : i32 to index
        %get3A_685 = arith.constant 48 : index
        %get3A_686 = tpu.vector_load %arg11[%get3A_684, %get3A_685] {strides = array<i32>} : memref<512x64xf32, #tpu.memory_space<vmem>>, vector<16xf32>,
        %exp3A_687 = math.exp %get3A_686 : vector<16xf32>
        %add3A_688 = arith.addf %exp3A_669, %exp3A_675 : vector<16xf32>
        %add3A_689 = arith.addf %exp3A_681, %exp3A_687 : vector<16xf32>
        %add3A_690 = arith.addf %add3A_688, %add3A_689 : vector<16xf32>
        %reduce_sum3A_691 = arith.constant true
        %reduce_sum3A_692 = vector.broadcast %reduce_sum3A_691 : i1 to vector<16xi1>
        %reduce_sum3A_693 = tpu.scan <sum>, %add3A_690 masked %reduce_sum3A_692 : vector<16xf32>, vector<16xi1> -> vector<16xf32>
        %reduce_sum3A_694 = vector.extract %reduce_sum3A_693[15] : f32 from vector<16xf32>
        %eq3A_695 = arith.constant 12 : i32
        %eq3A_696 = vector.broadcast %eq3A_695 : i32 to vector<16xi32>
        %eq3A_697 = arith.cmpi eq, %iota3A, %eq3A_696 : vector<16xi32>
        %broadcast_in_dim3A_698 = vector.broadcast %reduce_sum3A_694 : f32 to vector<16xf32>
        %select_n3A_699 = arith.select %eq3A_697, %broadcast_in_dim3A_698, %select_n3A_663 : vector<16xi1>, vector<16xf32>
        %add3A_700 = arith.constant 13 : i32
        %add3A_701 = arith.addi %mul3A_232, %add3A_700 : i32
        %get3A_702 = arith.index_cast %add3A_701 : i32 to index
        %get3A_703 = arith.constant 0 : index
        %get3A_704 = tpu.vector_load %arg11[%get3A_702, %get3A_703] {strides = array<i32>} : memref<512x64xf32, #tpu.memory_space<vmem>>, vector<16xf32>,
        %exp3A_705 = math.exp %get3A_704 : vector<16xf32>
        %add3A_706 = arith.constant 13 : i32
        %add3A_707 = arith.addi %mul3A_232, %add3A_706 : i32
        %get3A_708 = arith.index_cast %add3A_707 : i32 to index
        %get3A_709 = arith.constant 16 : index
        %get3A_710 = tpu.vector_load %arg11[%get3A_708, %get3A_709] {strides = array<i32>} : memref<512x64xf32, #tpu.memory_space<vmem>>, vector<16xf32>,
        %exp3A_711 = math.exp %get3A_710 : vector<16xf32>
        %add3A_712 = arith.constant 13 : i32
        %add3A_713 = arith.addi %mul3A_232, %add3A_712 : i32
        %get3A_714 = arith.index_cast %add3A_713 : i32 to index
        %get3A_715 = arith.constant 32 : index
        %get3A_716 = tpu.vector_load %arg11[%get3A_714, %get3A_715] {strides = array<i32>} : memref<512x64xf32, #tpu.memory_space<vmem>>, vector<16xf32>,
        %exp3A_717 = math.exp %get3A_716 : vector<16xf32>
        %add3A_718 = arith.constant 13 : i32
        %add3A_719 = arith.addi %mul3A_232, %add3A_718 : i32
        %get3A_720 = arith.index_cast %add3A_719 : i32 to index
        %get3A_721 = arith.constant 48 : index
        %get3A_722 = tpu.vector_load %arg11[%get3A_720, %get3A_721] {strides = array<i32>} : memref<512x64xf32, #tpu.memory_space<vmem>>, vector<16xf32>,
        %exp3A_723 = math.exp %get3A_722 : vector<16xf32>
        %add3A_724 = arith.addf %exp3A_705, %exp3A_711 : vector<16xf32>
        %add3A_725 = arith.addf %exp3A_717, %exp3A_723 : vector<16xf32>
        %add3A_726 = arith.addf %add3A_724, %add3A_725 : vector<16xf32>
        %reduce_sum3A_727 = arith.constant true
        %reduce_sum3A_728 = vector.broadcast %reduce_sum3A_727 : i1 to vector<16xi1>
        %reduce_sum3A_729 = tpu.scan <sum>, %add3A_726 masked %reduce_sum3A_728 : vector<16xf32>, vector<16xi1> -> vector<16xf32>
        %reduce_sum3A_730 = vector.extract %reduce_sum3A_729[15] : f32 from vector<16xf32>
        %eq3A_731 = arith.constant 13 : i32
        %eq3A_732 = vector.broadcast %eq3A_731 : i32 to vector<16xi32>
        %eq3A_733 = arith.cmpi eq, %iota3A, %eq3A_732 : vector<16xi32>
        %broadcast_in_dim3A_734 = vector.broadcast %reduce_sum3A_730 : f32 to vector<16xf32>
        %select_n3A_735 = arith.select %eq3A_733, %broadcast_in_dim3A_734, %select_n3A_699 : vector<16xi1>, vector<16xf32>
        %add3A_736 = arith.constant 14 : i32
        %add3A_737 = arith.addi %mul3A_232, %add3A_736 : i32
        %get3A_738 = arith.index_cast %add3A_737 : i32 to index
        %get3A_739 = arith.constant 0 : index
        %get3A_740 = tpu.vector_load %arg11[%get3A_738, %get3A_739] {strides = array<i32>} : memref<512x64xf32, #tpu.memory_space<vmem>>, vector<16xf32>,
        %exp3A_741 = math.exp %get3A_740 : vector<16xf32>
        %add3A_742 = arith.constant 14 : i32
        %add3A_743 = arith.addi %mul3A_232, %add3A_742 : i32
        %get3A_744 = arith.index_cast %add3A_743 : i32 to index
        %get3A_745 = arith.constant 16 : index
        %get3A_746 = tpu.vector_load %arg11[%get3A_744, %get3A_745] {strides = array<i32>} : memref<512x64xf32, #tpu.memory_space<vmem>>, vector<16xf32>,
        %exp3A_747 = math.exp %get3A_746 : vector<16xf32>
        %add3A_748 = arith.constant 14 : i32
        %add3A_749 = arith.addi %mul3A_232, %add3A_748 : i32
        %get3A_750 = arith.index_cast %add3A_749 : i32 to index
        %get3A_751 = arith.constant 32 : index
        %get3A_752 = tpu.vector_load %arg11[%get3A_750, %get3A_751] {strides = array<i32>} : memref<512x64xf32, #tpu.memory_space<vmem>>, vector<16xf32>,
        %exp3A_753 = math.exp %get3A_752 : vector<16xf32>
        %add3A_754 = arith.constant 14 : i32
        %add3A_755 = arith.addi %mul3A_232, %add3A_754 : i32
        %get3A_756 = arith.index_cast %add3A_755 : i32 to index
        %get3A_757 = arith.constant 48 : index
        %get3A_758 = tpu.vector_load %arg11[%get3A_756, %get3A_757] {strides = array<i32>} : memref<512x64xf32, #tpu.memory_space<vmem>>, vector<16xf32>,
        %exp3A_759 = math.exp %get3A_758 : vector<16xf32>
        %add3A_760 = arith.addf %exp3A_741, %exp3A_747 : vector<16xf32>
        %add3A_761 = arith.addf %exp3A_753, %exp3A_759 : vector<16xf32>
        %add3A_762 = arith.addf %add3A_760, %add3A_761 : vector<16xf32>
        %reduce_sum3A_763 = arith.constant true
        %reduce_sum3A_764 = vector.broadcast %reduce_sum3A_763 : i1 to vector<16xi1>
        %reduce_sum3A_765 = tpu.scan <sum>, %add3A_762 masked %reduce_sum3A_764 : vector<16xf32>, vector<16xi1> -> vector<16xf32>
        %reduce_sum3A_766 = vector.extract %reduce_sum3A_765[15] : f32 from vector<16xf32>
        %eq3A_767 = arith.constant 14 : i32
        %eq3A_768 = vector.broadcast %eq3A_767 : i32 to vector<16xi32>
        %eq3A_769 = arith.cmpi eq, %iota3A, %eq3A_768 : vector<16xi32>
        %broadcast_in_dim3A_770 = vector.broadcast %reduce_sum3A_766 : f32 to vector<16xf32>
        %select_n3A_771 = arith.select %eq3A_769, %broadcast_in_dim3A_770, %select_n3A_735 : vector<16xi1>, vector<16xf32>
        %add3A_772 = arith.constant 15 : i32
        %add3A_773 = arith.addi %mul3A_232, %add3A_772 : i32
        %get3A_774 = arith.index_cast %add3A_773 : i32 to index
        %get3A_775 = arith.constant 0 : index
        %get3A_776 = tpu.vector_load %arg11[%get3A_774, %get3A_775] {strides = array<i32>} : memref<512x64xf32, #tpu.memory_space<vmem>>, vector<16xf32>,
        %exp3A_777 = math.exp %get3A_776 : vector<16xf32>
        %add3A_778 = arith.constant 15 : i32
        %add3A_779 = arith.addi %mul3A_232, %add3A_778 : i32
        %get3A_780 = arith.index_cast %add3A_779 : i32 to index
        %get3A_781 = arith.constant 16 : index
        %get3A_782 = tpu.vector_load %arg11[%get3A_780, %get3A_781] {strides = array<i32>} : memref<512x64xf32, #tpu.memory_space<vmem>>, vector<16xf32>,
        %exp3A_783 = math.exp %get3A_782 : vector<16xf32>
        %add3A_784 = arith.constant 15 : i32
        %add3A_785 = arith.addi %mul3A_232, %add3A_784 : i32
        %get3A_786 = arith.index_cast %add3A_785 : i32 to index
        %get3A_787 = arith.constant 32 : index
        %get3A_788 = tpu.vector_load %arg11[%get3A_786, %get3A_787] {strides = array<i32>} : memref<512x64xf32, #tpu.memory_space<vmem>>, vector<16xf32>,
        %exp3A_789 = math.exp %get3A_788 : vector<16xf32>
        %add3A_790 = arith.constant 15 : i32
        %add3A_791 = arith.addi %mul3A_232, %add3A_790 : i32
        %get3A_792 = arith.index_cast %add3A_791 : i32 to index
        %get3A_793 = arith.constant 48 : index
        %get3A_794 = tpu.vector_load %arg11[%get3A_792, %get3A_793] {strides = array<i32>} : memref<512x64xf32, #tpu.memory_space<vmem>>, vector<16xf32>,
        %exp3A_795 = math.exp %get3A_794 : vector<16xf32>
        %add3A_796 = arith.addf %exp3A_777, %exp3A_783 : vector<16xf32>
        %add3A_797 = arith.addf %exp3A_789, %exp3A_795 : vector<16xf32>
        %add3A_798 = arith.addf %add3A_796, %add3A_797 : vector<16xf32>
        %reduce_sum3A_799 = arith.constant true
        %reduce_sum3A_800 = vector.broadcast %reduce_sum3A_799 : i1 to vector<16xi1>
        %reduce_sum3A_801 = tpu.scan <sum>, %add3A_798 masked %reduce_sum3A_800 : vector<16xf32>, vector<16xi1> -> vector<16xf32>
        %reduce_sum3A_802 = vector.extract %reduce_sum3A_801[15] : f32 from vector<16xf32>
        %eq3A_803 = arith.constant 15 : i32
        %eq3A_804 = vector.broadcast %eq3A_803 : i32 to vector<16xi32>
        %eq3A_805 = arith.cmpi eq, %iota3A, %eq3A_804 : vector<16xi32>
        %broadcast_in_dim3A_806 = vector.broadcast %reduce_sum3A_802 : f32 to vector<16xf32>
        %select_n3A_807 = arith.select %eq3A_805, %broadcast_in_dim3A_806, %select_n3A_771 : vector<16xi1>, vector<16xf32>
        %add3A_808 = vector.broadcast %mul3A_232 : i32 to vector<16xi32>
        %add3A_809 = arith.addi %add3A_808, %iota3A : vector<16xi32>
        %gather3A = tpu.vector_load_idx %arg11[%add3A_809, %get3A_233] : memref<512x64xf32, #tpu.memory_space<vmem>>[vector<16xi32>, vector<16xi32>], vector<16xf32>,
        %get3A_810 = arith.constant 0 : index
        %get3A_811 = tpu.vector_load %arg13[%get3A_810] {strides = array<i32>} : memref<16xf32, #tpu.memory_space<vmem>>, vector<16xf32>,
        %bitcast3A = vector.bitcast %select_n3A_807 : vector<16xf32> to vector<16xi32>
        %shift_right_arithmetic3A = arith.constant 23 : i32
        %shift_right_arithmetic3A_812 = vector.broadcast %shift_right_arithmetic3A : i32 to vector<16xi32>
        %shift_right_arithmetic3A_813 = arith.shrsi %bitcast3A, %shift_right_arithmetic3A_812 : vector<16xi32>
        %and3A = arith.constant 255 : i32
        %and3A_814 = vector.broadcast %and3A : i32 to vector<16xi32>
        %and3A_815 = arith.andi %shift_right_arithmetic3A_813, %and3A_814 : vector<16xi32>
        %sub3A = arith.constant 127 : i32
        %sub3A_816 = vector.broadcast %sub3A : i32 to vector<16xi32>
        %sub3A_817 = arith.subi %and3A_815, %sub3A_816 : vector<16xi32>
        %and3A_818 = arith.constant 8388607 : i32
        %and3A_819 = vector.broadcast %and3A_818 : i32 to vector<16xi32>
        %and3A_820 = arith.andi %bitcast3A, %and3A_819 : vector<16xi32>
        %or3A = arith.constant 1065353216 : i32
        %or3A_821 = vector.broadcast %or3A : i32 to vector<16xi32>
        %or3A_822 = arith.ori %and3A_820, %or3A_821 : vector<16xi32>
        %bitcast3A_823 = vector.bitcast %or3A_822 : vector<16xi32> to vector<16xf32>
        %sub3A_824 = arith.constant 1.000000e+00 : f32
        %sub3A_825 = vector.broadcast %sub3A_824 : f32 to vector<16xf32>
        %sub3A_826 = arith.subf %bitcast3A_823, %sub3A_825 : vector<16xf32>
        %add3A_827 = arith.constant 1.000000e+00 : f32
        %add3A_828 = vector.broadcast %add3A_827 : f32 to vector<16xf32>
        %add3A_829 = arith.addf %bitcast3A_823, %add3A_828 : vector<16xf32>
        %div3A = arith.divf %sub3A_826, %add3A_829 : vector<16xf32>
        %mul3A_830 = arith.mulf %div3A, %div3A : vector<16xf32>
        %mul3A_831 = arith.constant 0.111111112 : f32
        %mul3A_832 = vector.broadcast %mul3A_831 : f32 to vector<16xf32>
        %mul3A_833 = arith.mulf %mul3A_830, %mul3A_832 : vector<16xf32>
        %add3A_834 = arith.constant 0.142857149 : f32
        %add3A_835 = vector.broadcast %add3A_834 : f32 to vector<16xf32>
        %add3A_836 = arith.addf %add3A_835, %mul3A_833 : vector<16xf32>
        %mul3A_837 = arith.mulf %mul3A_830, %add3A_836 : vector<16xf32>
        %add3A_838 = arith.constant 2.000000e-01 : f32
        %add3A_839 = vector.broadcast %add3A_838 : f32 to vector<16xf32>
        %add3A_840 = arith.addf %add3A_839, %mul3A_837 : vector<16xf32>
        %mul3A_841 = arith.mulf %mul3A_830, %add3A_840 : vector<16xf32>
        %add3A_842 = arith.constant 0.333333343 : f32
        %add3A_843 = vector.broadcast %add3A_842 : f32 to vector<16xf32>
        %add3A_844 = arith.addf %add3A_843, %mul3A_841 : vector<16xf32>
        %mul3A_845 = arith.constant 2.000000e+00 : f32
        %mul3A_846 = vector.broadcast %mul3A_845 : f32 to vector<16xf32>
        %mul3A_847 = arith.mulf %mul3A_846, %div3A : vector<16xf32>
        %mul3A_848 = arith.mulf %mul3A_830, %add3A_844 : vector<16xf32>
        %add3A_849 = arith.constant 1.000000e+00 : f32
        %add3A_850 = vector.broadcast %add3A_849 : f32 to vector<16xf32>
        %add3A_851 = arith.addf %add3A_850, %mul3A_848 : vector<16xf32>
        %mul3A_852 = arith.mulf %mul3A_847, %add3A_851 : vector<16xf32>
        %convert_element_type3A_853 = arith.sitofp %sub3A_817 : vector<16xi32> to vector<16xf32>
        %mul3A_854 = arith.constant 0.693147182 : f32
        %mul3A_855 = vector.broadcast %mul3A_854 : f32 to vector<16xf32>
        %mul3A_856 = arith.mulf %convert_element_type3A_853, %mul3A_855 : vector<16xf32>
        %add3A_857 = arith.addf %mul3A_852, %mul3A_856 : vector<16xf32>
        %sub3A_858 = arith.subf %add3A_857, %gather3A : vector<16xf32>
        %add3A_859 = arith.addf %get3A_811, %sub3A_858 : vector<16xf32>
        %swap3A_860 = arith.constant 0 : index
        %swap3A_861 = tpu.vector_load %arg13[%swap3A_860] {strides = array<i32>} : memref<16xf32, #tpu.memory_space<vmem>>, vector<16xf32>,
        tpu.vector_store %arg13[%swap3A_860], %add3A_859 {strides = array<i32>} : memref<16xf32, #tpu.memory_space<vmem>>, vector<16xf32>,
      }
      %scan3A_163 = arith.constant 32 : i32
      %mul3A_164 = arith.constant 512 : i32
      %mul3A_165 = arith.muli %mul3A_68, %mul3A_164 : i32
      %add3A_166 = arith.addi %mul3A_4, %mul3A_165 : i32
      %dma_start3A_167 = arith.constant 0 : i32
      %dma_start3A_168 = tpu.memref_slice %arg5[%add3A_166, %dma_start3A_167] : memref<819200x128xf32, #tpu.memory_space<hbm>> -> memref<512x64xf32, #tpu.memory_space<hbm>>
      %dma_start3A_169 = arith.constant 0 : i32
      %dma_start3A_170 = tpu.memref_slice %arg5[%add3A_166, %dma_start3A_169] : memref<819200x128xf32, #tpu.memory_space<hbm>> -> memref<512x64xf32, #tpu.memory_space<hbm>>
      tpu.enqueue_dma source(%arg11 : memref<512x64xf32, #tpu.memory_space<vmem>>) target(%dma_start3A_170 : memref<512x64xf32, #tpu.memory_space<hbm>>) target_semaphore(%arg16 : memref<!tpu.dma_semaphore, #tpu.memory_space<semaphore_mem>>)
      %lt3A = arith.constant 24 : i32
      %lt3A_171 = arith.cmpi slt, %scan3A_66, %lt3A : i32
      %convert_element_type3A_172 = arith.extui %lt3A_171 : i1 to i32
      %cond3A_173 = arith.constant 0 : i32
      %cond3A_174 = arith.cmpi ne, %convert_element_type3A_172, %cond3A_173 : i32
      scf.if %cond3A_174 {
        %add3A_230 = arith.constant 2 : i32
        %add3A_231 = arith.addi %mul3A_68, %add3A_230 : i32
        %mul3A_232 = arith.constant 4 : i32
        %mul3A_233 = arith.muli %add3A_231, %mul3A_232 : i32
        %add3A_234 = arith.addi %mul3A_2, %mul3A_233 : i32
        "tpu.region"() ({
          %run_scoped3A = tpu.sem_alloc : memref<!tpu.dma_semaphore, #tpu.memory_space<semaphore_mem>>
          %dma_start3A_281 = arith.constant 0 : i32
          %dma_start3A_282 = tpu.memref_slice %arg2[%add3A_234, %dma_start3A_281] : memref<6400x128xi32, #tpu.memory_space<hbm>> -> memref<4x128xi32, #tpu.memory_space<hbm>>
          %dma_start3A_283 = arith.constant 0 : i32
          %dma_start3A_284 = tpu.memref_slice %arg2[%add3A_234, %dma_start3A_283] : memref<6400x128xi32, #tpu.memory_space<hbm>> -> memref<4x128xi32, #tpu.memory_space<hbm>>
          tpu.enqueue_dma source(%dma_start3A_284 : memref<4x128xi32, #tpu.memory_space<hbm>>) target(%arg7 : memref<4x128xi32, #tpu.memory_space<vmem>>) target_semaphore(%run_scoped3A : memref<!tpu.dma_semaphore, #tpu.memory_space<semaphore_mem>>)
          %dma_wait3A_285 = arith.constant 0 : i32
          %dma_wait3A_286 = tpu.memref_slice %arg2[%add3A_234, %dma_wait3A_285] : memref<6400x128xi32, #tpu.memory_space<hbm>> -> memref<4x128xi32, #tpu.memory_space<hbm>>
          %dma_wait3A_287 = arith.constant 0 : i32
          %dma_wait3A_288 = tpu.memref_slice %arg2[%add3A_234, %dma_wait3A_287] : memref<6400x128xi32, #tpu.memory_space<hbm>> -> memref<4x128xi32, #tpu.memory_space<hbm>>
          tpu.wait_dma2 semaphore(%run_scoped3A : memref<!tpu.dma_semaphore, #tpu.memory_space<semaphore_mem>>) src(%dma_wait3A_288 : memref<4x128xi32, #tpu.memory_space<hbm>>) dst(%arg7 : memref<4x128xi32, #tpu.memory_space<vmem>>)
          tpu.yield
        }) : () -> ()
        %mul3A_235 = arith.constant 128 : i32
        %mul3A_236 = arith.muli %add3A_234, %mul3A_235 : i32
        "tpu.region"() ({
          %run_scoped3A = tpu.sem_alloc : memref<!tpu.dma_semaphore, #tpu.memory_space<semaphore_mem>>
          %dma_start3A_281 = tpu.memref_slice %arg3[%mul3A_236] : memref<819200xi32, #tpu.memory_space<hbm>> -> memref<512xi32, #tpu.memory_space<hbm>>
          %dma_start3A_282 = tpu.memref_slice %arg3[%mul3A_236] : memref<819200xi32, #tpu.memory_space<hbm>> -> memref<512xi32, #tpu.memory_space<hbm>>
          tpu.enqueue_dma source(%dma_start3A_282 : memref<512xi32, #tpu.memory_space<hbm>>) target(%arg9 : memref<512xi32, #tpu.memory_space<vmem>>) target_semaphore(%run_scoped3A : memref<!tpu.dma_semaphore, #tpu.memory_space<semaphore_mem>>)
          %dma_wait3A_283 = tpu.memref_slice %arg3[%mul3A_236] : memref<819200xi32, #tpu.memory_space<hbm>> -> memref<512xi32, #tpu.memory_space<hbm>>
          %dma_wait3A_284 = tpu.memref_slice %arg3[%mul3A_236] : memref<819200xi32, #tpu.memory_space<hbm>> -> memref<512xi32, #tpu.memory_space<hbm>>
          tpu.wait_dma2 semaphore(%run_scoped3A : memref<!tpu.dma_semaphore, #tpu.memory_space<semaphore_mem>>) src(%dma_wait3A_284 : memref<512xi32, #tpu.memory_space<hbm>>) dst(%arg9 : memref<512xi32, #tpu.memory_space<vmem>>)
          tpu.yield
        }) : () -> ()
        %dma_wait3A_237 = arith.constant 0 : i32
        %dma_wait3A_238 = tpu.memref_slice %arg5[%add3A_166, %dma_wait3A_237] : memref<819200x128xf32, #tpu.memory_space<hbm>> -> memref<512x64xf32, #tpu.memory_space<hbm>>
        %dma_wait3A_239 = arith.constant 0 : i32
        %dma_wait3A_240 = tpu.memref_slice %arg5[%add3A_166, %dma_wait3A_239] : memref<819200x128xf32, #tpu.memory_space<hbm>> -> memref<512x64xf32, #tpu.memory_space<hbm>>
        tpu.wait_dma2 semaphore(%arg16 : memref<!tpu.dma_semaphore, #tpu.memory_space<semaphore_mem>>) src(%arg11 : memref<512x64xf32, #tpu.memory_space<vmem>>) dst(%dma_wait3A_240 : memref<512x64xf32, #tpu.memory_space<hbm>>)
        %dma_start3A_241 = arith.constant 0 : i32
        %dma_start3A_242 = arith.constant 0 : i32
        %dma_start3A_243 = arith.constant 0 : i32
        %dma_start3A_244 = tpu.memref_slice %arg11[%dma_start3A_242, %dma_start3A_243] : memref<512x64xf32, #tpu.memory_space<vmem>> -> memref<128x64xf32, #tpu.memory_space<vmem>>
        %dma_start3A_245 = arith.constant 0 : i32
        %dma_start3A_246 = tpu.memref_slice %arg7[%dma_start3A_241, %dma_start3A_245] : memref<4x128xi32, #tpu.memory_space<vmem>> -> memref<1x128xi32, #tpu.memory_space<vmem>>
        %dma_start3A_247 = tpu.memref_squeeze %dma_start3A_246 : memref<1x128xi32, #tpu.memory_space<vmem>> -> memref<128xi32, #tpu.memory_space<vmem>>
        %dma_start3A_248 = arith.constant 0 : i32
        %dma_start3A_249 = arith.constant 0 : i32
        %dma_start3A_250 = tpu.memref_slice %arg4[%dma_start3A_248, %dma_start3A_249] : memref<2000000x64xf32, #tpu.memory_space<hbm>> -> memref<2000000x64xf32, #tpu.memory_space<hbm>>
        tpu.enqueue_indirect_dma source(%dma_start3A_250 : memref<2000000x64xf32, #tpu.memory_space<hbm>>) target(%dma_start3A_244 : memref<128x64xf32, #tpu.memory_space<vmem>>) offsets(%dma_start3A_247 : memref<128xi32, #tpu.memory_space<vmem>>) semaphore(%arg14 : memref<!tpu.dma_semaphore, #tpu.memory_space<semaphore_mem>>)
        %dma_start3A_251 = arith.constant 1 : i32
        %dma_start3A_252 = arith.constant 128 : i32
        %dma_start3A_253 = arith.constant 0 : i32
        %dma_start3A_254 = tpu.memref_slice %arg11[%dma_start3A_252, %dma_start3A_253] : memref<512x64xf32, #tpu.memory_space<vmem>> -> memref<128x64xf32, #tpu.memory_space<vmem>>
        %dma_start3A_255 = arith.constant 0 : i32
        %dma_start3A_256 = tpu.memref_slice %arg7[%dma_start3A_251, %dma_start3A_255] : memref<4x128xi32, #tpu.memory_space<vmem>> -> memref<1x128xi32, #tpu.memory_space<vmem>>
        %dma_start3A_257 = tpu.memref_squeeze %dma_start3A_256 : memref<1x128xi32, #tpu.memory_space<vmem>> -> memref<128xi32, #tpu.memory_space<vmem>>
        %dma_start3A_258 = arith.constant 0 : i32
        %dma_start3A_259 = arith.constant 0 : i32
        %dma_start3A_260 = tpu.memref_slice %arg4[%dma_start3A_258, %dma_start3A_259] : memref<2000000x64xf32, #tpu.memory_space<hbm>> -> memref<2000000x64xf32, #tpu.memory_space<hbm>>
        tpu.enqueue_indirect_dma source(%dma_start3A_260 : memref<2000000x64xf32, #tpu.memory_space<hbm>>) target(%dma_start3A_254 : memref<128x64xf32, #tpu.memory_space<vmem>>) offsets(%dma_start3A_257 : memref<128xi32, #tpu.memory_space<vmem>>) semaphore(%arg14 : memref<!tpu.dma_semaphore, #tpu.memory_space<semaphore_mem>>)
        %dma_start3A_261 = arith.constant 2 : i32
        %dma_start3A_262 = arith.constant 256 : i32
        %dma_start3A_263 = arith.constant 0 : i32
        %dma_start3A_264 = tpu.memref_slice %arg11[%dma_start3A_262, %dma_start3A_263] : memref<512x64xf32, #tpu.memory_space<vmem>> -> memref<128x64xf32, #tpu.memory_space<vmem>>
        %dma_start3A_265 = arith.constant 0 : i32
        %dma_start3A_266 = tpu.memref_slice %arg7[%dma_start3A_261, %dma_start3A_265] : memref<4x128xi32, #tpu.memory_space<vmem>> -> memref<1x128xi32, #tpu.memory_space<vmem>>
        %dma_start3A_267 = tpu.memref_squeeze %dma_start3A_266 : memref<1x128xi32, #tpu.memory_space<vmem>> -> memref<128xi32, #tpu.memory_space<vmem>>
        %dma_start3A_268 = arith.constant 0 : i32
        %dma_start3A_269 = arith.constant 0 : i32
        %dma_start3A_270 = tpu.memref_slice %arg4[%dma_start3A_268, %dma_start3A_269] : memref<2000000x64xf32, #tpu.memory_space<hbm>> -> memref<2000000x64xf32, #tpu.memory_space<hbm>>
        tpu.enqueue_indirect_dma source(%dma_start3A_270 : memref<2000000x64xf32, #tpu.memory_space<hbm>>) target(%dma_start3A_264 : memref<128x64xf32, #tpu.memory_space<vmem>>) offsets(%dma_start3A_267 : memref<128xi32, #tpu.memory_space<vmem>>) semaphore(%arg14 : memref<!tpu.dma_semaphore, #tpu.memory_space<semaphore_mem>>)
        %dma_start3A_271 = arith.constant 3 : i32
        %dma_start3A_272 = arith.constant 384 : i32
        %dma_start3A_273 = arith.constant 0 : i32
        %dma_start3A_274 = tpu.memref_slice %arg11[%dma_start3A_272, %dma_start3A_273] : memref<512x64xf32, #tpu.memory_space<vmem>> -> memref<128x64xf32, #tpu.memory_space<vmem>>
        %dma_start3A_275 = arith.constant 0 : i32
        %dma_start3A_276 = tpu.memref_slice %arg7[%dma_start3A_271, %dma_start3A_275] : memref<4x128xi32, #tpu.memory_space<vmem>> -> memref<1x128xi32, #tpu.memory_space<vmem>>
        %dma_start3A_277 = tpu.memref_squeeze %dma_start3A_276 : memref<1x128xi32, #tpu.memory_space<vmem>> -> memref<128xi32, #tpu.memory_space<vmem>>
        %dma_start3A_278 = arith.constant 0 : i32
        %dma_start3A_279 = arith.constant 0 : i32
        %dma_start3A_280 = tpu.memref_slice %arg4[%dma_start3A_278, %dma_start3A_279] : memref<2000000x64xf32, #tpu.memory_space<hbm>> -> memref<2000000x64xf32, #tpu.memory_space<hbm>>
        tpu.enqueue_indirect_dma source(%dma_start3A_280 : memref<2000000x64xf32, #tpu.memory_space<hbm>>) target(%dma_start3A_274 : memref<128x64xf32, #tpu.memory_space<vmem>>) offsets(%dma_start3A_277 : memref<128xi32, #tpu.memory_space<vmem>>) semaphore(%arg14 : memref<!tpu.dma_semaphore, #tpu.memory_space<semaphore_mem>>)
      } else {
      }
      %dma_wait3A_175 = arith.constant 0 : i32
      %dma_wait3A_176 = arith.constant 0 : i32
      %dma_wait3A_177 = arith.constant 0 : i32
      %dma_wait3A_178 = tpu.memref_slice %arg12[%dma_wait3A_176, %dma_wait3A_177] : memref<512x64xf32, #tpu.memory_space<vmem>> -> memref<128x64xf32, #tpu.memory_space<vmem>>
      %dma_wait3A_179 = arith.constant 0 : i32
      %dma_wait3A_180 = tpu.memref_slice %arg8[%dma_wait3A_175, %dma_wait3A_179] : memref<4x128xi32, #tpu.memory_space<vmem>> -> memref<1x128xi32, #tpu.memory_space<vmem>>
      %dma_wait3A_181 = tpu.memref_squeeze %dma_wait3A_180 : memref<1x128xi32, #tpu.memory_space<vmem>> -> memref<128xi32, #tpu.memory_space<vmem>>
      %dma_wait3A_182 = arith.constant 0 : i32
      %dma_wait3A_183 = arith.constant 0 : i32
      %dma_wait3A_184 = tpu.memref_slice %arg4[%dma_wait3A_182, %dma_wait3A_183] : memref<2000000x64xf32, #tpu.memory_space<hbm>> -> memref<2000000x64xf32, #tpu.memory_space<hbm>>
      tpu.wait_indirect_dma semaphore(%arg15 : memref<!tpu.dma_semaphore, #tpu.memory_space<semaphore_mem>>) src(%dma_wait3A_184 : memref<2000000x64xf32, #tpu.memory_space<hbm>>) dst(%dma_wait3A_178 : memref<128x64xf32, #tpu.memory_space<vmem>>)
      %dma_wait3A_185 = arith.constant 1 : i32
      %dma_wait3A_186 = arith.constant 128 : i32
      %dma_wait3A_187 = arith.constant 0 : i32
      %dma_wait3A_188 = tpu.memref_slice %arg12[%dma_wait3A_186, %dma_wait3A_187] : memref<512x64xf32, #tpu.memory_space<vmem>> -> memref<128x64xf32, #tpu.memory_space<vmem>>
      %dma_wait3A_189 = arith.constant 0 : i32
      %dma_wait3A_190 = tpu.memref_slice %arg8[%dma_wait3A_185, %dma_wait3A_189] : memref<4x128xi32, #tpu.memory_space<vmem>> -> memref<1x128xi32, #tpu.memory_space<vmem>>
      %dma_wait3A_191 = tpu.memref_squeeze %dma_wait3A_190 : memref<1x128xi32, #tpu.memory_space<vmem>> -> memref<128xi32, #tpu.memory_space<vmem>>
      %dma_wait3A_192 = arith.constant 0 : i32
      %dma_wait3A_193 = arith.constant 0 : i32
      %dma_wait3A_194 = tpu.memref_slice %arg4[%dma_wait3A_192, %dma_wait3A_193] : memref<2000000x64xf32, #tpu.memory_space<hbm>> -> memref<2000000x64xf32, #tpu.memory_space<hbm>>
      tpu.wait_indirect_dma semaphore(%arg15 : memref<!tpu.dma_semaphore, #tpu.memory_space<semaphore_mem>>) src(%dma_wait3A_194 : memref<2000000x64xf32, #tpu.memory_space<hbm>>) dst(%dma_wait3A_188 : memref<128x64xf32, #tpu.memory_space<vmem>>)
      %dma_wait3A_195 = arith.constant 2 : i32
      %dma_wait3A_196 = arith.constant 256 : i32
      %dma_wait3A_197 = arith.constant 0 : i32
      %dma_wait3A_198 = tpu.memref_slice %arg12[%dma_wait3A_196, %dma_wait3A_197] : memref<512x64xf32, #tpu.memory_space<vmem>> -> memref<128x64xf32, #tpu.memory_space<vmem>>
      %dma_wait3A_199 = arith.constant 0 : i32
      %dma_wait3A_200 = tpu.memref_slice %arg8[%dma_wait3A_195, %dma_wait3A_199] : memref<4x128xi32, #tpu.memory_space<vmem>> -> memref<1x128xi32, #tpu.memory_space<vmem>>
      %dma_wait3A_201 = tpu.memref_squeeze %dma_wait3A_200 : memref<1x128xi32, #tpu.memory_space<vmem>> -> memref<128xi32, #tpu.memory_space<vmem>>
      %dma_wait3A_202 = arith.constant 0 : i32
      %dma_wait3A_203 = arith.constant 0 : i32
      %dma_wait3A_204 = tpu.memref_slice %arg4[%dma_wait3A_202, %dma_wait3A_203] : memref<2000000x64xf32, #tpu.memory_space<hbm>> -> memref<2000000x64xf32, #tpu.memory_space<hbm>>
      tpu.wait_indirect_dma semaphore(%arg15 : memref<!tpu.dma_semaphore, #tpu.memory_space<semaphore_mem>>) src(%dma_wait3A_204 : memref<2000000x64xf32, #tpu.memory_space<hbm>>) dst(%dma_wait3A_198 : memref<128x64xf32, #tpu.memory_space<vmem>>)
      %dma_wait3A_205 = arith.constant 3 : i32
      %dma_wait3A_206 = arith.constant 384 : i32
      %dma_wait3A_207 = arith.constant 0 : i32
      %dma_wait3A_208 = tpu.memref_slice %arg12[%dma_wait3A_206, %dma_wait3A_207] : memref<512x64xf32, #tpu.memory_space<vmem>> -> memref<128x64xf32, #tpu.memory_space<vmem>>
      %dma_wait3A_209 = arith.constant 0 : i32
      %dma_wait3A_210 = tpu.memref_slice %arg8[%dma_wait3A_205, %dma_wait3A_209] : memref<4x128xi32, #tpu.memory_space<vmem>> -> memref<1x128xi32, #tpu.memory_space<vmem>>
      %dma_wait3A_211 = tpu.memref_squeeze %dma_wait3A_210 : memref<1x128xi32, #tpu.memory_space<vmem>> -> memref<128xi32, #tpu.memory_space<vmem>>
      %dma_wait3A_212 = arith.constant 0 : i32
      %dma_wait3A_213 = arith.constant 0 : i32
      %dma_wait3A_214 = tpu.memref_slice %arg4[%dma_wait3A_212, %dma_wait3A_213] : memref<2000000x64xf32, #tpu.memory_space<hbm>> -> memref<2000000x64xf32, #tpu.memory_space<hbm>>
      tpu.wait_indirect_dma semaphore(%arg15 : memref<!tpu.dma_semaphore, #tpu.memory_space<semaphore_mem>>) src(%dma_wait3A_214 : memref<2000000x64xf32, #tpu.memory_space<hbm>>) dst(%dma_wait3A_208 : memref<128x64xf32, #tpu.memory_space<vmem>>)
      %scan3A_215 = arith.constant 0 : i32
      %scan3A_216 = arith.constant 0 : i32
      %scan3A_217 = arith.constant 32 : i32
      %scan3A_218 = arith.addi %scan3A_216, %scan3A_217 : i32
      %scan3A_219 = arith.constant 1 : i32
      scf.for %scan3A_230 = %scan3A_216 to %scan3A_218 step %scan3A_219  : i32 {
        %mul3A_231 = arith.constant 16 : i32
        %mul3A_232 = arith.muli %scan3A_230, %mul3A_231 : i32
        %get3A = arith.index_cast %mul3A_232 : i32 to index
        %get3A_233 = tpu.vector_load %arg10[%get3A] {strides = array<i32>} : memref<512xi32, #tpu.memory_space<vmem>>, vector<16xi32>,
        %broadcast_in_dim3A_234 = arith.constant 0.000000e+00 : f32
        %broadcast_in_dim3A_235 = vector.broadcast %broadcast_in_dim3A_234 : f32 to vector<16xf32>
        %add3A_236 = arith.constant 0 : i32
        %add3A_237 = arith.addi %mul3A_232, %add3A_236 : i32
        %get3A_238 = arith.index_cast %add3A_237 : i32 to index
        %get3A_239 = arith.constant 0 : index
        %get3A_240 = tpu.vector_load %arg12[%get3A_238, %get3A_239] {strides = array<i32>} : memref<512x64xf32, #tpu.memory_space<vmem>>, vector<16xf32>,
        %exp3A = math.exp %get3A_240 : vector<16xf32>
        %add3A_241 = arith.constant 0 : i32
        %add3A_242 = arith.addi %mul3A_232, %add3A_241 : i32
        %get3A_243 = arith.index_cast %add3A_242 : i32 to index
        %get3A_244 = arith.constant 16 : index
        %get3A_245 = tpu.vector_load %arg12[%get3A_243, %get3A_244] {strides = array<i32>} : memref<512x64xf32, #tpu.memory_space<vmem>>, vector<16xf32>,
        %exp3A_246 = math.exp %get3A_245 : vector<16xf32>
        %add3A_247 = arith.constant 0 : i32
        %add3A_248 = arith.addi %mul3A_232, %add3A_247 : i32
        %get3A_249 = arith.index_cast %add3A_248 : i32 to index
        %get3A_250 = arith.constant 32 : index
        %get3A_251 = tpu.vector_load %arg12[%get3A_249, %get3A_250] {strides = array<i32>} : memref<512x64xf32, #tpu.memory_space<vmem>>, vector<16xf32>,
        %exp3A_252 = math.exp %get3A_251 : vector<16xf32>
        %add3A_253 = arith.constant 0 : i32
        %add3A_254 = arith.addi %mul3A_232, %add3A_253 : i32
        %get3A_255 = arith.index_cast %add3A_254 : i32 to index
        %get3A_256 = arith.constant 48 : index
        %get3A_257 = tpu.vector_load %arg12[%get3A_255, %get3A_256] {strides = array<i32>} : memref<512x64xf32, #tpu.memory_space<vmem>>, vector<16xf32>,
        %exp3A_258 = math.exp %get3A_257 : vector<16xf32>
        %add3A_259 = arith.addf %exp3A, %exp3A_246 : vector<16xf32>
        %add3A_260 = arith.addf %exp3A_252, %exp3A_258 : vector<16xf32>
        %add3A_261 = arith.addf %add3A_259, %add3A_260 : vector<16xf32>
        %reduce_sum3A = arith.constant true
        %reduce_sum3A_262 = vector.broadcast %reduce_sum3A : i1 to vector<16xi1>
        %reduce_sum3A_263 = tpu.scan <sum>, %add3A_261 masked %reduce_sum3A_262 : vector<16xf32>, vector<16xi1> -> vector<16xf32>
        %reduce_sum3A_264 = vector.extract %reduce_sum3A_263[15] : f32 from vector<16xf32>
        %eq3A = arith.constant 0 : i32
        %eq3A_265 = vector.broadcast %eq3A : i32 to vector<16xi32>
        %eq3A_266 = arith.cmpi eq, %iota3A, %eq3A_265 : vector<16xi32>
        %broadcast_in_dim3A_267 = vector.broadcast %reduce_sum3A_264 : f32 to vector<16xf32>
        %select_n3A = arith.select %eq3A_266, %broadcast_in_dim3A_267, %broadcast_in_dim3A_235 : vector<16xi1>, vector<16xf32>
        %add3A_268 = arith.constant 1 : i32
        %add3A_269 = arith.addi %mul3A_232, %add3A_268 : i32
        %get3A_270 = arith.index_cast %add3A_269 : i32 to index
        %get3A_271 = arith.constant 0 : index
        %get3A_272 = tpu.vector_load %arg12[%get3A_270, %get3A_271] {strides = array<i32>} : memref<512x64xf32, #tpu.memory_space<vmem>>, vector<16xf32>,
        %exp3A_273 = math.exp %get3A_272 : vector<16xf32>
        %add3A_274 = arith.constant 1 : i32
        %add3A_275 = arith.addi %mul3A_232, %add3A_274 : i32
        %get3A_276 = arith.index_cast %add3A_275 : i32 to index
        %get3A_277 = arith.constant 16 : index
        %get3A_278 = tpu.vector_load %arg12[%get3A_276, %get3A_277] {strides = array<i32>} : memref<512x64xf32, #tpu.memory_space<vmem>>, vector<16xf32>,
        %exp3A_279 = math.exp %get3A_278 : vector<16xf32>
        %add3A_280 = arith.constant 1 : i32
        %add3A_281 = arith.addi %mul3A_232, %add3A_280 : i32
        %get3A_282 = arith.index_cast %add3A_281 : i32 to index
        %get3A_283 = arith.constant 32 : index
        %get3A_284 = tpu.vector_load %arg12[%get3A_282, %get3A_283] {strides = array<i32>} : memref<512x64xf32, #tpu.memory_space<vmem>>, vector<16xf32>,
        %exp3A_285 = math.exp %get3A_284 : vector<16xf32>
        %add3A_286 = arith.constant 1 : i32
        %add3A_287 = arith.addi %mul3A_232, %add3A_286 : i32
        %get3A_288 = arith.index_cast %add3A_287 : i32 to index
        %get3A_289 = arith.constant 48 : index
        %get3A_290 = tpu.vector_load %arg12[%get3A_288, %get3A_289] {strides = array<i32>} : memref<512x64xf32, #tpu.memory_space<vmem>>, vector<16xf32>,
        %exp3A_291 = math.exp %get3A_290 : vector<16xf32>
        %add3A_292 = arith.addf %exp3A_273, %exp3A_279 : vector<16xf32>
        %add3A_293 = arith.addf %exp3A_285, %exp3A_291 : vector<16xf32>
        %add3A_294 = arith.addf %add3A_292, %add3A_293 : vector<16xf32>
        %reduce_sum3A_295 = arith.constant true
        %reduce_sum3A_296 = vector.broadcast %reduce_sum3A_295 : i1 to vector<16xi1>
        %reduce_sum3A_297 = tpu.scan <sum>, %add3A_294 masked %reduce_sum3A_296 : vector<16xf32>, vector<16xi1> -> vector<16xf32>
        %reduce_sum3A_298 = vector.extract %reduce_sum3A_297[15] : f32 from vector<16xf32>
        %eq3A_299 = arith.constant 1 : i32
        %eq3A_300 = vector.broadcast %eq3A_299 : i32 to vector<16xi32>
        %eq3A_301 = arith.cmpi eq, %iota3A, %eq3A_300 : vector<16xi32>
        %broadcast_in_dim3A_302 = vector.broadcast %reduce_sum3A_298 : f32 to vector<16xf32>
        %select_n3A_303 = arith.select %eq3A_301, %broadcast_in_dim3A_302, %select_n3A : vector<16xi1>, vector<16xf32>
        %add3A_304 = arith.constant 2 : i32
        %add3A_305 = arith.addi %mul3A_232, %add3A_304 : i32
        %get3A_306 = arith.index_cast %add3A_305 : i32 to index
        %get3A_307 = arith.constant 0 : index
        %get3A_308 = tpu.vector_load %arg12[%get3A_306, %get3A_307] {strides = array<i32>} : memref<512x64xf32, #tpu.memory_space<vmem>>, vector<16xf32>,
        %exp3A_309 = math.exp %get3A_308 : vector<16xf32>
        %add3A_310 = arith.constant 2 : i32
        %add3A_311 = arith.addi %mul3A_232, %add3A_310 : i32
        %get3A_312 = arith.index_cast %add3A_311 : i32 to index
        %get3A_313 = arith.constant 16 : index
        %get3A_314 = tpu.vector_load %arg12[%get3A_312, %get3A_313] {strides = array<i32>} : memref<512x64xf32, #tpu.memory_space<vmem>>, vector<16xf32>,
        %exp3A_315 = math.exp %get3A_314 : vector<16xf32>
        %add3A_316 = arith.constant 2 : i32
        %add3A_317 = arith.addi %mul3A_232, %add3A_316 : i32
        %get3A_318 = arith.index_cast %add3A_317 : i32 to index
        %get3A_319 = arith.constant 32 : index
        %get3A_320 = tpu.vector_load %arg12[%get3A_318, %get3A_319] {strides = array<i32>} : memref<512x64xf32, #tpu.memory_space<vmem>>, vector<16xf32>,
        %exp3A_321 = math.exp %get3A_320 : vector<16xf32>
        %add3A_322 = arith.constant 2 : i32
        %add3A_323 = arith.addi %mul3A_232, %add3A_322 : i32
        %get3A_324 = arith.index_cast %add3A_323 : i32 to index
        %get3A_325 = arith.constant 48 : index
        %get3A_326 = tpu.vector_load %arg12[%get3A_324, %get3A_325] {strides = array<i32>} : memref<512x64xf32, #tpu.memory_space<vmem>>, vector<16xf32>,
        %exp3A_327 = math.exp %get3A_326 : vector<16xf32>
        %add3A_328 = arith.addf %exp3A_309, %exp3A_315 : vector<16xf32>
        %add3A_329 = arith.addf %exp3A_321, %exp3A_327 : vector<16xf32>
        %add3A_330 = arith.addf %add3A_328, %add3A_329 : vector<16xf32>
        %reduce_sum3A_331 = arith.constant true
        %reduce_sum3A_332 = vector.broadcast %reduce_sum3A_331 : i1 to vector<16xi1>
        %reduce_sum3A_333 = tpu.scan <sum>, %add3A_330 masked %reduce_sum3A_332 : vector<16xf32>, vector<16xi1> -> vector<16xf32>
        %reduce_sum3A_334 = vector.extract %reduce_sum3A_333[15] : f32 from vector<16xf32>
        %eq3A_335 = arith.constant 2 : i32
        %eq3A_336 = vector.broadcast %eq3A_335 : i32 to vector<16xi32>
        %eq3A_337 = arith.cmpi eq, %iota3A, %eq3A_336 : vector<16xi32>
        %broadcast_in_dim3A_338 = vector.broadcast %reduce_sum3A_334 : f32 to vector<16xf32>
        %select_n3A_339 = arith.select %eq3A_337, %broadcast_in_dim3A_338, %select_n3A_303 : vector<16xi1>, vector<16xf32>
        %add3A_340 = arith.constant 3 : i32
        %add3A_341 = arith.addi %mul3A_232, %add3A_340 : i32
        %get3A_342 = arith.index_cast %add3A_341 : i32 to index
        %get3A_343 = arith.constant 0 : index
        %get3A_344 = tpu.vector_load %arg12[%get3A_342, %get3A_343] {strides = array<i32>} : memref<512x64xf32, #tpu.memory_space<vmem>>, vector<16xf32>,
        %exp3A_345 = math.exp %get3A_344 : vector<16xf32>
        %add3A_346 = arith.constant 3 : i32
        %add3A_347 = arith.addi %mul3A_232, %add3A_346 : i32
        %get3A_348 = arith.index_cast %add3A_347 : i32 to index
        %get3A_349 = arith.constant 16 : index
        %get3A_350 = tpu.vector_load %arg12[%get3A_348, %get3A_349] {strides = array<i32>} : memref<512x64xf32, #tpu.memory_space<vmem>>, vector<16xf32>,
        %exp3A_351 = math.exp %get3A_350 : vector<16xf32>
        %add3A_352 = arith.constant 3 : i32
        %add3A_353 = arith.addi %mul3A_232, %add3A_352 : i32
        %get3A_354 = arith.index_cast %add3A_353 : i32 to index
        %get3A_355 = arith.constant 32 : index
        %get3A_356 = tpu.vector_load %arg12[%get3A_354, %get3A_355] {strides = array<i32>} : memref<512x64xf32, #tpu.memory_space<vmem>>, vector<16xf32>,
        %exp3A_357 = math.exp %get3A_356 : vector<16xf32>
        %add3A_358 = arith.constant 3 : i32
        %add3A_359 = arith.addi %mul3A_232, %add3A_358 : i32
        %get3A_360 = arith.index_cast %add3A_359 : i32 to index
        %get3A_361 = arith.constant 48 : index
        %get3A_362 = tpu.vector_load %arg12[%get3A_360, %get3A_361] {strides = array<i32>} : memref<512x64xf32, #tpu.memory_space<vmem>>, vector<16xf32>,
        %exp3A_363 = math.exp %get3A_362 : vector<16xf32>
        %add3A_364 = arith.addf %exp3A_345, %exp3A_351 : vector<16xf32>
        %add3A_365 = arith.addf %exp3A_357, %exp3A_363 : vector<16xf32>
        %add3A_366 = arith.addf %add3A_364, %add3A_365 : vector<16xf32>
        %reduce_sum3A_367 = arith.constant true
        %reduce_sum3A_368 = vector.broadcast %reduce_sum3A_367 : i1 to vector<16xi1>
        %reduce_sum3A_369 = tpu.scan <sum>, %add3A_366 masked %reduce_sum3A_368 : vector<16xf32>, vector<16xi1> -> vector<16xf32>
        %reduce_sum3A_370 = vector.extract %reduce_sum3A_369[15] : f32 from vector<16xf32>
        %eq3A_371 = arith.constant 3 : i32
        %eq3A_372 = vector.broadcast %eq3A_371 : i32 to vector<16xi32>
        %eq3A_373 = arith.cmpi eq, %iota3A, %eq3A_372 : vector<16xi32>
        %broadcast_in_dim3A_374 = vector.broadcast %reduce_sum3A_370 : f32 to vector<16xf32>
        %select_n3A_375 = arith.select %eq3A_373, %broadcast_in_dim3A_374, %select_n3A_339 : vector<16xi1>, vector<16xf32>
        %add3A_376 = arith.constant 4 : i32
        %add3A_377 = arith.addi %mul3A_232, %add3A_376 : i32
        %get3A_378 = arith.index_cast %add3A_377 : i32 to index
        %get3A_379 = arith.constant 0 : index
        %get3A_380 = tpu.vector_load %arg12[%get3A_378, %get3A_379] {strides = array<i32>} : memref<512x64xf32, #tpu.memory_space<vmem>>, vector<16xf32>,
        %exp3A_381 = math.exp %get3A_380 : vector<16xf32>
        %add3A_382 = arith.constant 4 : i32
        %add3A_383 = arith.addi %mul3A_232, %add3A_382 : i32
        %get3A_384 = arith.index_cast %add3A_383 : i32 to index
        %get3A_385 = arith.constant 16 : index
        %get3A_386 = tpu.vector_load %arg12[%get3A_384, %get3A_385] {strides = array<i32>} : memref<512x64xf32, #tpu.memory_space<vmem>>, vector<16xf32>,
        %exp3A_387 = math.exp %get3A_386 : vector<16xf32>
        %add3A_388 = arith.constant 4 : i32
        %add3A_389 = arith.addi %mul3A_232, %add3A_388 : i32
        %get3A_390 = arith.index_cast %add3A_389 : i32 to index
        %get3A_391 = arith.constant 32 : index
        %get3A_392 = tpu.vector_load %arg12[%get3A_390, %get3A_391] {strides = array<i32>} : memref<512x64xf32, #tpu.memory_space<vmem>>, vector<16xf32>,
        %exp3A_393 = math.exp %get3A_392 : vector<16xf32>
        %add3A_394 = arith.constant 4 : i32
        %add3A_395 = arith.addi %mul3A_232, %add3A_394 : i32
        %get3A_396 = arith.index_cast %add3A_395 : i32 to index
        %get3A_397 = arith.constant 48 : index
        %get3A_398 = tpu.vector_load %arg12[%get3A_396, %get3A_397] {strides = array<i32>} : memref<512x64xf32, #tpu.memory_space<vmem>>, vector<16xf32>,
        %exp3A_399 = math.exp %get3A_398 : vector<16xf32>
        %add3A_400 = arith.addf %exp3A_381, %exp3A_387 : vector<16xf32>
        %add3A_401 = arith.addf %exp3A_393, %exp3A_399 : vector<16xf32>
        %add3A_402 = arith.addf %add3A_400, %add3A_401 : vector<16xf32>
        %reduce_sum3A_403 = arith.constant true
        %reduce_sum3A_404 = vector.broadcast %reduce_sum3A_403 : i1 to vector<16xi1>
        %reduce_sum3A_405 = tpu.scan <sum>, %add3A_402 masked %reduce_sum3A_404 : vector<16xf32>, vector<16xi1> -> vector<16xf32>
        %reduce_sum3A_406 = vector.extract %reduce_sum3A_405[15] : f32 from vector<16xf32>
        %eq3A_407 = arith.constant 4 : i32
        %eq3A_408 = vector.broadcast %eq3A_407 : i32 to vector<16xi32>
        %eq3A_409 = arith.cmpi eq, %iota3A, %eq3A_408 : vector<16xi32>
        %broadcast_in_dim3A_410 = vector.broadcast %reduce_sum3A_406 : f32 to vector<16xf32>
        %select_n3A_411 = arith.select %eq3A_409, %broadcast_in_dim3A_410, %select_n3A_375 : vector<16xi1>, vector<16xf32>
        %add3A_412 = arith.constant 5 : i32
        %add3A_413 = arith.addi %mul3A_232, %add3A_412 : i32
        %get3A_414 = arith.index_cast %add3A_413 : i32 to index
        %get3A_415 = arith.constant 0 : index
        %get3A_416 = tpu.vector_load %arg12[%get3A_414, %get3A_415] {strides = array<i32>} : memref<512x64xf32, #tpu.memory_space<vmem>>, vector<16xf32>,
        %exp3A_417 = math.exp %get3A_416 : vector<16xf32>
        %add3A_418 = arith.constant 5 : i32
        %add3A_419 = arith.addi %mul3A_232, %add3A_418 : i32
        %get3A_420 = arith.index_cast %add3A_419 : i32 to index
        %get3A_421 = arith.constant 16 : index
        %get3A_422 = tpu.vector_load %arg12[%get3A_420, %get3A_421] {strides = array<i32>} : memref<512x64xf32, #tpu.memory_space<vmem>>, vector<16xf32>,
        %exp3A_423 = math.exp %get3A_422 : vector<16xf32>
        %add3A_424 = arith.constant 5 : i32
        %add3A_425 = arith.addi %mul3A_232, %add3A_424 : i32
        %get3A_426 = arith.index_cast %add3A_425 : i32 to index
        %get3A_427 = arith.constant 32 : index
        %get3A_428 = tpu.vector_load %arg12[%get3A_426, %get3A_427] {strides = array<i32>} : memref<512x64xf32, #tpu.memory_space<vmem>>, vector<16xf32>,
        %exp3A_429 = math.exp %get3A_428 : vector<16xf32>
        %add3A_430 = arith.constant 5 : i32
        %add3A_431 = arith.addi %mul3A_232, %add3A_430 : i32
        %get3A_432 = arith.index_cast %add3A_431 : i32 to index
        %get3A_433 = arith.constant 48 : index
        %get3A_434 = tpu.vector_load %arg12[%get3A_432, %get3A_433] {strides = array<i32>} : memref<512x64xf32, #tpu.memory_space<vmem>>, vector<16xf32>,
        %exp3A_435 = math.exp %get3A_434 : vector<16xf32>
        %add3A_436 = arith.addf %exp3A_417, %exp3A_423 : vector<16xf32>
        %add3A_437 = arith.addf %exp3A_429, %exp3A_435 : vector<16xf32>
        %add3A_438 = arith.addf %add3A_436, %add3A_437 : vector<16xf32>
        %reduce_sum3A_439 = arith.constant true
        %reduce_sum3A_440 = vector.broadcast %reduce_sum3A_439 : i1 to vector<16xi1>
        %reduce_sum3A_441 = tpu.scan <sum>, %add3A_438 masked %reduce_sum3A_440 : vector<16xf32>, vector<16xi1> -> vector<16xf32>
        %reduce_sum3A_442 = vector.extract %reduce_sum3A_441[15] : f32 from vector<16xf32>
        %eq3A_443 = arith.constant 5 : i32
        %eq3A_444 = vector.broadcast %eq3A_443 : i32 to vector<16xi32>
        %eq3A_445 = arith.cmpi eq, %iota3A, %eq3A_444 : vector<16xi32>
        %broadcast_in_dim3A_446 = vector.broadcast %reduce_sum3A_442 : f32 to vector<16xf32>
        %select_n3A_447 = arith.select %eq3A_445, %broadcast_in_dim3A_446, %select_n3A_411 : vector<16xi1>, vector<16xf32>
        %add3A_448 = arith.constant 6 : i32
        %add3A_449 = arith.addi %mul3A_232, %add3A_448 : i32
        %get3A_450 = arith.index_cast %add3A_449 : i32 to index
        %get3A_451 = arith.constant 0 : index
        %get3A_452 = tpu.vector_load %arg12[%get3A_450, %get3A_451] {strides = array<i32>} : memref<512x64xf32, #tpu.memory_space<vmem>>, vector<16xf32>,
        %exp3A_453 = math.exp %get3A_452 : vector<16xf32>
        %add3A_454 = arith.constant 6 : i32
        %add3A_455 = arith.addi %mul3A_232, %add3A_454 : i32
        %get3A_456 = arith.index_cast %add3A_455 : i32 to index
        %get3A_457 = arith.constant 16 : index
        %get3A_458 = tpu.vector_load %arg12[%get3A_456, %get3A_457] {strides = array<i32>} : memref<512x64xf32, #tpu.memory_space<vmem>>, vector<16xf32>,
        %exp3A_459 = math.exp %get3A_458 : vector<16xf32>
        %add3A_460 = arith.constant 6 : i32
        %add3A_461 = arith.addi %mul3A_232, %add3A_460 : i32
        %get3A_462 = arith.index_cast %add3A_461 : i32 to index
        %get3A_463 = arith.constant 32 : index
        %get3A_464 = tpu.vector_load %arg12[%get3A_462, %get3A_463] {strides = array<i32>} : memref<512x64xf32, #tpu.memory_space<vmem>>, vector<16xf32>,
        %exp3A_465 = math.exp %get3A_464 : vector<16xf32>
        %add3A_466 = arith.constant 6 : i32
        %add3A_467 = arith.addi %mul3A_232, %add3A_466 : i32
        %get3A_468 = arith.index_cast %add3A_467 : i32 to index
        %get3A_469 = arith.constant 48 : index
        %get3A_470 = tpu.vector_load %arg12[%get3A_468, %get3A_469] {strides = array<i32>} : memref<512x64xf32, #tpu.memory_space<vmem>>, vector<16xf32>,
        %exp3A_471 = math.exp %get3A_470 : vector<16xf32>
        %add3A_472 = arith.addf %exp3A_453, %exp3A_459 : vector<16xf32>
        %add3A_473 = arith.addf %exp3A_465, %exp3A_471 : vector<16xf32>
        %add3A_474 = arith.addf %add3A_472, %add3A_473 : vector<16xf32>
        %reduce_sum3A_475 = arith.constant true
        %reduce_sum3A_476 = vector.broadcast %reduce_sum3A_475 : i1 to vector<16xi1>
        %reduce_sum3A_477 = tpu.scan <sum>, %add3A_474 masked %reduce_sum3A_476 : vector<16xf32>, vector<16xi1> -> vector<16xf32>
        %reduce_sum3A_478 = vector.extract %reduce_sum3A_477[15] : f32 from vector<16xf32>
        %eq3A_479 = arith.constant 6 : i32
        %eq3A_480 = vector.broadcast %eq3A_479 : i32 to vector<16xi32>
        %eq3A_481 = arith.cmpi eq, %iota3A, %eq3A_480 : vector<16xi32>
        %broadcast_in_dim3A_482 = vector.broadcast %reduce_sum3A_478 : f32 to vector<16xf32>
        %select_n3A_483 = arith.select %eq3A_481, %broadcast_in_dim3A_482, %select_n3A_447 : vector<16xi1>, vector<16xf32>
        %add3A_484 = arith.constant 7 : i32
        %add3A_485 = arith.addi %mul3A_232, %add3A_484 : i32
        %get3A_486 = arith.index_cast %add3A_485 : i32 to index
        %get3A_487 = arith.constant 0 : index
        %get3A_488 = tpu.vector_load %arg12[%get3A_486, %get3A_487] {strides = array<i32>} : memref<512x64xf32, #tpu.memory_space<vmem>>, vector<16xf32>,
        %exp3A_489 = math.exp %get3A_488 : vector<16xf32>
        %add3A_490 = arith.constant 7 : i32
        %add3A_491 = arith.addi %mul3A_232, %add3A_490 : i32
        %get3A_492 = arith.index_cast %add3A_491 : i32 to index
        %get3A_493 = arith.constant 16 : index
        %get3A_494 = tpu.vector_load %arg12[%get3A_492, %get3A_493] {strides = array<i32>} : memref<512x64xf32, #tpu.memory_space<vmem>>, vector<16xf32>,
        %exp3A_495 = math.exp %get3A_494 : vector<16xf32>
        %add3A_496 = arith.constant 7 : i32
        %add3A_497 = arith.addi %mul3A_232, %add3A_496 : i32
        %get3A_498 = arith.index_cast %add3A_497 : i32 to index
        %get3A_499 = arith.constant 32 : index
        %get3A_500 = tpu.vector_load %arg12[%get3A_498, %get3A_499] {strides = array<i32>} : memref<512x64xf32, #tpu.memory_space<vmem>>, vector<16xf32>,
        %exp3A_501 = math.exp %get3A_500 : vector<16xf32>
        %add3A_502 = arith.constant 7 : i32
        %add3A_503 = arith.addi %mul3A_232, %add3A_502 : i32
        %get3A_504 = arith.index_cast %add3A_503 : i32 to index
        %get3A_505 = arith.constant 48 : index
        %get3A_506 = tpu.vector_load %arg12[%get3A_504, %get3A_505] {strides = array<i32>} : memref<512x64xf32, #tpu.memory_space<vmem>>, vector<16xf32>,
        %exp3A_507 = math.exp %get3A_506 : vector<16xf32>
        %add3A_508 = arith.addf %exp3A_489, %exp3A_495 : vector<16xf32>
        %add3A_509 = arith.addf %exp3A_501, %exp3A_507 : vector<16xf32>
        %add3A_510 = arith.addf %add3A_508, %add3A_509 : vector<16xf32>
        %reduce_sum3A_511 = arith.constant true
        %reduce_sum3A_512 = vector.broadcast %reduce_sum3A_511 : i1 to vector<16xi1>
        %reduce_sum3A_513 = tpu.scan <sum>, %add3A_510 masked %reduce_sum3A_512 : vector<16xf32>, vector<16xi1> -> vector<16xf32>
        %reduce_sum3A_514 = vector.extract %reduce_sum3A_513[15] : f32 from vector<16xf32>
        %eq3A_515 = arith.constant 7 : i32
        %eq3A_516 = vector.broadcast %eq3A_515 : i32 to vector<16xi32>
        %eq3A_517 = arith.cmpi eq, %iota3A, %eq3A_516 : vector<16xi32>
        %broadcast_in_dim3A_518 = vector.broadcast %reduce_sum3A_514 : f32 to vector<16xf32>
        %select_n3A_519 = arith.select %eq3A_517, %broadcast_in_dim3A_518, %select_n3A_483 : vector<16xi1>, vector<16xf32>
        %add3A_520 = arith.constant 8 : i32
        %add3A_521 = arith.addi %mul3A_232, %add3A_520 : i32
        %get3A_522 = arith.index_cast %add3A_521 : i32 to index
        %get3A_523 = arith.constant 0 : index
        %get3A_524 = tpu.vector_load %arg12[%get3A_522, %get3A_523] {strides = array<i32>} : memref<512x64xf32, #tpu.memory_space<vmem>>, vector<16xf32>,
        %exp3A_525 = math.exp %get3A_524 : vector<16xf32>
        %add3A_526 = arith.constant 8 : i32
        %add3A_527 = arith.addi %mul3A_232, %add3A_526 : i32
        %get3A_528 = arith.index_cast %add3A_527 : i32 to index
        %get3A_529 = arith.constant 16 : index
        %get3A_530 = tpu.vector_load %arg12[%get3A_528, %get3A_529] {strides = array<i32>} : memref<512x64xf32, #tpu.memory_space<vmem>>, vector<16xf32>,
        %exp3A_531 = math.exp %get3A_530 : vector<16xf32>
        %add3A_532 = arith.constant 8 : i32
        %add3A_533 = arith.addi %mul3A_232, %add3A_532 : i32
        %get3A_534 = arith.index_cast %add3A_533 : i32 to index
        %get3A_535 = arith.constant 32 : index
        %get3A_536 = tpu.vector_load %arg12[%get3A_534, %get3A_535] {strides = array<i32>} : memref<512x64xf32, #tpu.memory_space<vmem>>, vector<16xf32>,
        %exp3A_537 = math.exp %get3A_536 : vector<16xf32>
        %add3A_538 = arith.constant 8 : i32
        %add3A_539 = arith.addi %mul3A_232, %add3A_538 : i32
        %get3A_540 = arith.index_cast %add3A_539 : i32 to index
        %get3A_541 = arith.constant 48 : index
        %get3A_542 = tpu.vector_load %arg12[%get3A_540, %get3A_541] {strides = array<i32>} : memref<512x64xf32, #tpu.memory_space<vmem>>, vector<16xf32>,
        %exp3A_543 = math.exp %get3A_542 : vector<16xf32>
        %add3A_544 = arith.addf %exp3A_525, %exp3A_531 : vector<16xf32>
        %add3A_545 = arith.addf %exp3A_537, %exp3A_543 : vector<16xf32>
        %add3A_546 = arith.addf %add3A_544, %add3A_545 : vector<16xf32>
        %reduce_sum3A_547 = arith.constant true
        %reduce_sum3A_548 = vector.broadcast %reduce_sum3A_547 : i1 to vector<16xi1>
        %reduce_sum3A_549 = tpu.scan <sum>, %add3A_546 masked %reduce_sum3A_548 : vector<16xf32>, vector<16xi1> -> vector<16xf32>
        %reduce_sum3A_550 = vector.extract %reduce_sum3A_549[15] : f32 from vector<16xf32>
        %eq3A_551 = arith.constant 8 : i32
        %eq3A_552 = vector.broadcast %eq3A_551 : i32 to vector<16xi32>
        %eq3A_553 = arith.cmpi eq, %iota3A, %eq3A_552 : vector<16xi32>
        %broadcast_in_dim3A_554 = vector.broadcast %reduce_sum3A_550 : f32 to vector<16xf32>
        %select_n3A_555 = arith.select %eq3A_553, %broadcast_in_dim3A_554, %select_n3A_519 : vector<16xi1>, vector<16xf32>
        %add3A_556 = arith.constant 9 : i32
        %add3A_557 = arith.addi %mul3A_232, %add3A_556 : i32
        %get3A_558 = arith.index_cast %add3A_557 : i32 to index
        %get3A_559 = arith.constant 0 : index
        %get3A_560 = tpu.vector_load %arg12[%get3A_558, %get3A_559] {strides = array<i32>} : memref<512x64xf32, #tpu.memory_space<vmem>>, vector<16xf32>,
        %exp3A_561 = math.exp %get3A_560 : vector<16xf32>
        %add3A_562 = arith.constant 9 : i32
        %add3A_563 = arith.addi %mul3A_232, %add3A_562 : i32
        %get3A_564 = arith.index_cast %add3A_563 : i32 to index
        %get3A_565 = arith.constant 16 : index
        %get3A_566 = tpu.vector_load %arg12[%get3A_564, %get3A_565] {strides = array<i32>} : memref<512x64xf32, #tpu.memory_space<vmem>>, vector<16xf32>,
        %exp3A_567 = math.exp %get3A_566 : vector<16xf32>
        %add3A_568 = arith.constant 9 : i32
        %add3A_569 = arith.addi %mul3A_232, %add3A_568 : i32
        %get3A_570 = arith.index_cast %add3A_569 : i32 to index
        %get3A_571 = arith.constant 32 : index
        %get3A_572 = tpu.vector_load %arg12[%get3A_570, %get3A_571] {strides = array<i32>} : memref<512x64xf32, #tpu.memory_space<vmem>>, vector<16xf32>,
        %exp3A_573 = math.exp %get3A_572 : vector<16xf32>
        %add3A_574 = arith.constant 9 : i32
        %add3A_575 = arith.addi %mul3A_232, %add3A_574 : i32
        %get3A_576 = arith.index_cast %add3A_575 : i32 to index
        %get3A_577 = arith.constant 48 : index
        %get3A_578 = tpu.vector_load %arg12[%get3A_576, %get3A_577] {strides = array<i32>} : memref<512x64xf32, #tpu.memory_space<vmem>>, vector<16xf32>,
        %exp3A_579 = math.exp %get3A_578 : vector<16xf32>
        %add3A_580 = arith.addf %exp3A_561, %exp3A_567 : vector<16xf32>
        %add3A_581 = arith.addf %exp3A_573, %exp3A_579 : vector<16xf32>
        %add3A_582 = arith.addf %add3A_580, %add3A_581 : vector<16xf32>
        %reduce_sum3A_583 = arith.constant true
        %reduce_sum3A_584 = vector.broadcast %reduce_sum3A_583 : i1 to vector<16xi1>
        %reduce_sum3A_585 = tpu.scan <sum>, %add3A_582 masked %reduce_sum3A_584 : vector<16xf32>, vector<16xi1> -> vector<16xf32>
        %reduce_sum3A_586 = vector.extract %reduce_sum3A_585[15] : f32 from vector<16xf32>
        %eq3A_587 = arith.constant 9 : i32
        %eq3A_588 = vector.broadcast %eq3A_587 : i32 to vector<16xi32>
        %eq3A_589 = arith.cmpi eq, %iota3A, %eq3A_588 : vector<16xi32>
        %broadcast_in_dim3A_590 = vector.broadcast %reduce_sum3A_586 : f32 to vector<16xf32>
        %select_n3A_591 = arith.select %eq3A_589, %broadcast_in_dim3A_590, %select_n3A_555 : vector<16xi1>, vector<16xf32>
        %add3A_592 = arith.constant 10 : i32
        %add3A_593 = arith.addi %mul3A_232, %add3A_592 : i32
        %get3A_594 = arith.index_cast %add3A_593 : i32 to index
        %get3A_595 = arith.constant 0 : index
        %get3A_596 = tpu.vector_load %arg12[%get3A_594, %get3A_595] {strides = array<i32>} : memref<512x64xf32, #tpu.memory_space<vmem>>, vector<16xf32>,
        %exp3A_597 = math.exp %get3A_596 : vector<16xf32>
        %add3A_598 = arith.constant 10 : i32
        %add3A_599 = arith.addi %mul3A_232, %add3A_598 : i32
        %get3A_600 = arith.index_cast %add3A_599 : i32 to index
        %get3A_601 = arith.constant 16 : index
        %get3A_602 = tpu.vector_load %arg12[%get3A_600, %get3A_601] {strides = array<i32>} : memref<512x64xf32, #tpu.memory_space<vmem>>, vector<16xf32>,
        %exp3A_603 = math.exp %get3A_602 : vector<16xf32>
        %add3A_604 = arith.constant 10 : i32
        %add3A_605 = arith.addi %mul3A_232, %add3A_604 : i32
        %get3A_606 = arith.index_cast %add3A_605 : i32 to index
        %get3A_607 = arith.constant 32 : index
        %get3A_608 = tpu.vector_load %arg12[%get3A_606, %get3A_607] {strides = array<i32>} : memref<512x64xf32, #tpu.memory_space<vmem>>, vector<16xf32>,
        %exp3A_609 = math.exp %get3A_608 : vector<16xf32>
        %add3A_610 = arith.constant 10 : i32
        %add3A_611 = arith.addi %mul3A_232, %add3A_610 : i32
        %get3A_612 = arith.index_cast %add3A_611 : i32 to index
        %get3A_613 = arith.constant 48 : index
        %get3A_614 = tpu.vector_load %arg12[%get3A_612, %get3A_613] {strides = array<i32>} : memref<512x64xf32, #tpu.memory_space<vmem>>, vector<16xf32>,
        %exp3A_615 = math.exp %get3A_614 : vector<16xf32>
        %add3A_616 = arith.addf %exp3A_597, %exp3A_603 : vector<16xf32>
        %add3A_617 = arith.addf %exp3A_609, %exp3A_615 : vector<16xf32>
        %add3A_618 = arith.addf %add3A_616, %add3A_617 : vector<16xf32>
        %reduce_sum3A_619 = arith.constant true
        %reduce_sum3A_620 = vector.broadcast %reduce_sum3A_619 : i1 to vector<16xi1>
        %reduce_sum3A_621 = tpu.scan <sum>, %add3A_618 masked %reduce_sum3A_620 : vector<16xf32>, vector<16xi1> -> vector<16xf32>
        %reduce_sum3A_622 = vector.extract %reduce_sum3A_621[15] : f32 from vector<16xf32>
        %eq3A_623 = arith.constant 10 : i32
        %eq3A_624 = vector.broadcast %eq3A_623 : i32 to vector<16xi32>
        %eq3A_625 = arith.cmpi eq, %iota3A, %eq3A_624 : vector<16xi32>
        %broadcast_in_dim3A_626 = vector.broadcast %reduce_sum3A_622 : f32 to vector<16xf32>
        %select_n3A_627 = arith.select %eq3A_625, %broadcast_in_dim3A_626, %select_n3A_591 : vector<16xi1>, vector<16xf32>
        %add3A_628 = arith.constant 11 : i32
        %add3A_629 = arith.addi %mul3A_232, %add3A_628 : i32
        %get3A_630 = arith.index_cast %add3A_629 : i32 to index
        %get3A_631 = arith.constant 0 : index
        %get3A_632 = tpu.vector_load %arg12[%get3A_630, %get3A_631] {strides = array<i32>} : memref<512x64xf32, #tpu.memory_space<vmem>>, vector<16xf32>,
        %exp3A_633 = math.exp %get3A_632 : vector<16xf32>
        %add3A_634 = arith.constant 11 : i32
        %add3A_635 = arith.addi %mul3A_232, %add3A_634 : i32
        %get3A_636 = arith.index_cast %add3A_635 : i32 to index
        %get3A_637 = arith.constant 16 : index
        %get3A_638 = tpu.vector_load %arg12[%get3A_636, %get3A_637] {strides = array<i32>} : memref<512x64xf32, #tpu.memory_space<vmem>>, vector<16xf32>,
        %exp3A_639 = math.exp %get3A_638 : vector<16xf32>
        %add3A_640 = arith.constant 11 : i32
        %add3A_641 = arith.addi %mul3A_232, %add3A_640 : i32
        %get3A_642 = arith.index_cast %add3A_641 : i32 to index
        %get3A_643 = arith.constant 32 : index
        %get3A_644 = tpu.vector_load %arg12[%get3A_642, %get3A_643] {strides = array<i32>} : memref<512x64xf32, #tpu.memory_space<vmem>>, vector<16xf32>,
        %exp3A_645 = math.exp %get3A_644 : vector<16xf32>
        %add3A_646 = arith.constant 11 : i32
        %add3A_647 = arith.addi %mul3A_232, %add3A_646 : i32
        %get3A_648 = arith.index_cast %add3A_647 : i32 to index
        %get3A_649 = arith.constant 48 : index
        %get3A_650 = tpu.vector_load %arg12[%get3A_648, %get3A_649] {strides = array<i32>} : memref<512x64xf32, #tpu.memory_space<vmem>>, vector<16xf32>,
        %exp3A_651 = math.exp %get3A_650 : vector<16xf32>
        %add3A_652 = arith.addf %exp3A_633, %exp3A_639 : vector<16xf32>
        %add3A_653 = arith.addf %exp3A_645, %exp3A_651 : vector<16xf32>
        %add3A_654 = arith.addf %add3A_652, %add3A_653 : vector<16xf32>
        %reduce_sum3A_655 = arith.constant true
        %reduce_sum3A_656 = vector.broadcast %reduce_sum3A_655 : i1 to vector<16xi1>
        %reduce_sum3A_657 = tpu.scan <sum>, %add3A_654 masked %reduce_sum3A_656 : vector<16xf32>, vector<16xi1> -> vector<16xf32>
        %reduce_sum3A_658 = vector.extract %reduce_sum3A_657[15] : f32 from vector<16xf32>
        %eq3A_659 = arith.constant 11 : i32
        %eq3A_660 = vector.broadcast %eq3A_659 : i32 to vector<16xi32>
        %eq3A_661 = arith.cmpi eq, %iota3A, %eq3A_660 : vector<16xi32>
        %broadcast_in_dim3A_662 = vector.broadcast %reduce_sum3A_658 : f32 to vector<16xf32>
        %select_n3A_663 = arith.select %eq3A_661, %broadcast_in_dim3A_662, %select_n3A_627 : vector<16xi1>, vector<16xf32>
        %add3A_664 = arith.constant 12 : i32
        %add3A_665 = arith.addi %mul3A_232, %add3A_664 : i32
        %get3A_666 = arith.index_cast %add3A_665 : i32 to index
        %get3A_667 = arith.constant 0 : index
        %get3A_668 = tpu.vector_load %arg12[%get3A_666, %get3A_667] {strides = array<i32>} : memref<512x64xf32, #tpu.memory_space<vmem>>, vector<16xf32>,
        %exp3A_669 = math.exp %get3A_668 : vector<16xf32>
        %add3A_670 = arith.constant 12 : i32
        %add3A_671 = arith.addi %mul3A_232, %add3A_670 : i32
        %get3A_672 = arith.index_cast %add3A_671 : i32 to index
        %get3A_673 = arith.constant 16 : index
        %get3A_674 = tpu.vector_load %arg12[%get3A_672, %get3A_673] {strides = array<i32>} : memref<512x64xf32, #tpu.memory_space<vmem>>, vector<16xf32>,
        %exp3A_675 = math.exp %get3A_674 : vector<16xf32>
        %add3A_676 = arith.constant 12 : i32
        %add3A_677 = arith.addi %mul3A_232, %add3A_676 : i32
        %get3A_678 = arith.index_cast %add3A_677 : i32 to index
        %get3A_679 = arith.constant 32 : index
        %get3A_680 = tpu.vector_load %arg12[%get3A_678, %get3A_679] {strides = array<i32>} : memref<512x64xf32, #tpu.memory_space<vmem>>, vector<16xf32>,
        %exp3A_681 = math.exp %get3A_680 : vector<16xf32>
        %add3A_682 = arith.constant 12 : i32
        %add3A_683 = arith.addi %mul3A_232, %add3A_682 : i32
        %get3A_684 = arith.index_cast %add3A_683 : i32 to index
        %get3A_685 = arith.constant 48 : index
        %get3A_686 = tpu.vector_load %arg12[%get3A_684, %get3A_685] {strides = array<i32>} : memref<512x64xf32, #tpu.memory_space<vmem>>, vector<16xf32>,
        %exp3A_687 = math.exp %get3A_686 : vector<16xf32>
        %add3A_688 = arith.addf %exp3A_669, %exp3A_675 : vector<16xf32>
        %add3A_689 = arith.addf %exp3A_681, %exp3A_687 : vector<16xf32>
        %add3A_690 = arith.addf %add3A_688, %add3A_689 : vector<16xf32>
        %reduce_sum3A_691 = arith.constant true
        %reduce_sum3A_692 = vector.broadcast %reduce_sum3A_691 : i1 to vector<16xi1>
        %reduce_sum3A_693 = tpu.scan <sum>, %add3A_690 masked %reduce_sum3A_692 : vector<16xf32>, vector<16xi1> -> vector<16xf32>
        %reduce_sum3A_694 = vector.extract %reduce_sum3A_693[15] : f32 from vector<16xf32>
        %eq3A_695 = arith.constant 12 : i32
        %eq3A_696 = vector.broadcast %eq3A_695 : i32 to vector<16xi32>
        %eq3A_697 = arith.cmpi eq, %iota3A, %eq3A_696 : vector<16xi32>
        %broadcast_in_dim3A_698 = vector.broadcast %reduce_sum3A_694 : f32 to vector<16xf32>
        %select_n3A_699 = arith.select %eq3A_697, %broadcast_in_dim3A_698, %select_n3A_663 : vector<16xi1>, vector<16xf32>
        %add3A_700 = arith.constant 13 : i32
        %add3A_701 = arith.addi %mul3A_232, %add3A_700 : i32
        %get3A_702 = arith.index_cast %add3A_701 : i32 to index
        %get3A_703 = arith.constant 0 : index
        %get3A_704 = tpu.vector_load %arg12[%get3A_702, %get3A_703] {strides = array<i32>} : memref<512x64xf32, #tpu.memory_space<vmem>>, vector<16xf32>,
        %exp3A_705 = math.exp %get3A_704 : vector<16xf32>
        %add3A_706 = arith.constant 13 : i32
        %add3A_707 = arith.addi %mul3A_232, %add3A_706 : i32
        %get3A_708 = arith.index_cast %add3A_707 : i32 to index
        %get3A_709 = arith.constant 16 : index
        %get3A_710 = tpu.vector_load %arg12[%get3A_708, %get3A_709] {strides = array<i32>} : memref<512x64xf32, #tpu.memory_space<vmem>>, vector<16xf32>,
        %exp3A_711 = math.exp %get3A_710 : vector<16xf32>
        %add3A_712 = arith.constant 13 : i32
        %add3A_713 = arith.addi %mul3A_232, %add3A_712 : i32
        %get3A_714 = arith.index_cast %add3A_713 : i32 to index
        %get3A_715 = arith.constant 32 : index
        %get3A_716 = tpu.vector_load %arg12[%get3A_714, %get3A_715] {strides = array<i32>} : memref<512x64xf32, #tpu.memory_space<vmem>>, vector<16xf32>,
        %exp3A_717 = math.exp %get3A_716 : vector<16xf32>
        %add3A_718 = arith.constant 13 : i32
        %add3A_719 = arith.addi %mul3A_232, %add3A_718 : i32
        %get3A_720 = arith.index_cast %add3A_719 : i32 to index
        %get3A_721 = arith.constant 48 : index
        %get3A_722 = tpu.vector_load %arg12[%get3A_720, %get3A_721] {strides = array<i32>} : memref<512x64xf32, #tpu.memory_space<vmem>>, vector<16xf32>,
        %exp3A_723 = math.exp %get3A_722 : vector<16xf32>
        %add3A_724 = arith.addf %exp3A_705, %exp3A_711 : vector<16xf32>
        %add3A_725 = arith.addf %exp3A_717, %exp3A_723 : vector<16xf32>
        %add3A_726 = arith.addf %add3A_724, %add3A_725 : vector<16xf32>
        %reduce_sum3A_727 = arith.constant true
        %reduce_sum3A_728 = vector.broadcast %reduce_sum3A_727 : i1 to vector<16xi1>
        %reduce_sum3A_729 = tpu.scan <sum>, %add3A_726 masked %reduce_sum3A_728 : vector<16xf32>, vector<16xi1> -> vector<16xf32>
        %reduce_sum3A_730 = vector.extract %reduce_sum3A_729[15] : f32 from vector<16xf32>
        %eq3A_731 = arith.constant 13 : i32
        %eq3A_732 = vector.broadcast %eq3A_731 : i32 to vector<16xi32>
        %eq3A_733 = arith.cmpi eq, %iota3A, %eq3A_732 : vector<16xi32>
        %broadcast_in_dim3A_734 = vector.broadcast %reduce_sum3A_730 : f32 to vector<16xf32>
        %select_n3A_735 = arith.select %eq3A_733, %broadcast_in_dim3A_734, %select_n3A_699 : vector<16xi1>, vector<16xf32>
        %add3A_736 = arith.constant 14 : i32
        %add3A_737 = arith.addi %mul3A_232, %add3A_736 : i32
        %get3A_738 = arith.index_cast %add3A_737 : i32 to index
        %get3A_739 = arith.constant 0 : index
        %get3A_740 = tpu.vector_load %arg12[%get3A_738, %get3A_739] {strides = array<i32>} : memref<512x64xf32, #tpu.memory_space<vmem>>, vector<16xf32>,
        %exp3A_741 = math.exp %get3A_740 : vector<16xf32>
        %add3A_742 = arith.constant 14 : i32
        %add3A_743 = arith.addi %mul3A_232, %add3A_742 : i32
        %get3A_744 = arith.index_cast %add3A_743 : i32 to index
        %get3A_745 = arith.constant 16 : index
        %get3A_746 = tpu.vector_load %arg12[%get3A_744, %get3A_745] {strides = array<i32>} : memref<512x64xf32, #tpu.memory_space<vmem>>, vector<16xf32>,
        %exp3A_747 = math.exp %get3A_746 : vector<16xf32>
        %add3A_748 = arith.constant 14 : i32
        %add3A_749 = arith.addi %mul3A_232, %add3A_748 : i32
        %get3A_750 = arith.index_cast %add3A_749 : i32 to index
        %get3A_751 = arith.constant 32 : index
        %get3A_752 = tpu.vector_load %arg12[%get3A_750, %get3A_751] {strides = array<i32>} : memref<512x64xf32, #tpu.memory_space<vmem>>, vector<16xf32>,
        %exp3A_753 = math.exp %get3A_752 : vector<16xf32>
        %add3A_754 = arith.constant 14 : i32
        %add3A_755 = arith.addi %mul3A_232, %add3A_754 : i32
        %get3A_756 = arith.index_cast %add3A_755 : i32 to index
        %get3A_757 = arith.constant 48 : index
        %get3A_758 = tpu.vector_load %arg12[%get3A_756, %get3A_757] {strides = array<i32>} : memref<512x64xf32, #tpu.memory_space<vmem>>, vector<16xf32>,
        %exp3A_759 = math.exp %get3A_758 : vector<16xf32>
        %add3A_760 = arith.addf %exp3A_741, %exp3A_747 : vector<16xf32>
        %add3A_761 = arith.addf %exp3A_753, %exp3A_759 : vector<16xf32>
        %add3A_762 = arith.addf %add3A_760, %add3A_761 : vector<16xf32>
        %reduce_sum3A_763 = arith.constant true
        %reduce_sum3A_764 = vector.broadcast %reduce_sum3A_763 : i1 to vector<16xi1>
        %reduce_sum3A_765 = tpu.scan <sum>, %add3A_762 masked %reduce_sum3A_764 : vector<16xf32>, vector<16xi1> -> vector<16xf32>
        %reduce_sum3A_766 = vector.extract %reduce_sum3A_765[15] : f32 from vector<16xf32>
        %eq3A_767 = arith.constant 14 : i32
        %eq3A_768 = vector.broadcast %eq3A_767 : i32 to vector<16xi32>
        %eq3A_769 = arith.cmpi eq, %iota3A, %eq3A_768 : vector<16xi32>
        %broadcast_in_dim3A_770 = vector.broadcast %reduce_sum3A_766 : f32 to vector<16xf32>
        %select_n3A_771 = arith.select %eq3A_769, %broadcast_in_dim3A_770, %select_n3A_735 : vector<16xi1>, vector<16xf32>
        %add3A_772 = arith.constant 15 : i32
        %add3A_773 = arith.addi %mul3A_232, %add3A_772 : i32
        %get3A_774 = arith.index_cast %add3A_773 : i32 to index
        %get3A_775 = arith.constant 0 : index
        %get3A_776 = tpu.vector_load %arg12[%get3A_774, %get3A_775] {strides = array<i32>} : memref<512x64xf32, #tpu.memory_space<vmem>>, vector<16xf32>,
        %exp3A_777 = math.exp %get3A_776 : vector<16xf32>
        %add3A_778 = arith.constant 15 : i32
        %add3A_779 = arith.addi %mul3A_232, %add3A_778 : i32
        %get3A_780 = arith.index_cast %add3A_779 : i32 to index
        %get3A_781 = arith.constant 16 : index
        %get3A_782 = tpu.vector_load %arg12[%get3A_780, %get3A_781] {strides = array<i32>} : memref<512x64xf32, #tpu.memory_space<vmem>>, vector<16xf32>,
        %exp3A_783 = math.exp %get3A_782 : vector<16xf32>
        %add3A_784 = arith.constant 15 : i32
        %add3A_785 = arith.addi %mul3A_232, %add3A_784 : i32
        %get3A_786 = arith.index_cast %add3A_785 : i32 to index
        %get3A_787 = arith.constant 32 : index
        %get3A_788 = tpu.vector_load %arg12[%get3A_786, %get3A_787] {strides = array<i32>} : memref<512x64xf32, #tpu.memory_space<vmem>>, vector<16xf32>,
        %exp3A_789 = math.exp %get3A_788 : vector<16xf32>
        %add3A_790 = arith.constant 15 : i32
        %add3A_791 = arith.addi %mul3A_232, %add3A_790 : i32
        %get3A_792 = arith.index_cast %add3A_791 : i32 to index
        %get3A_793 = arith.constant 48 : index
        %get3A_794 = tpu.vector_load %arg12[%get3A_792, %get3A_793] {strides = array<i32>} : memref<512x64xf32, #tpu.memory_space<vmem>>, vector<16xf32>,
        %exp3A_795 = math.exp %get3A_794 : vector<16xf32>
        %add3A_796 = arith.addf %exp3A_777, %exp3A_783 : vector<16xf32>
        %add3A_797 = arith.addf %exp3A_789, %exp3A_795 : vector<16xf32>
        %add3A_798 = arith.addf %add3A_796, %add3A_797 : vector<16xf32>
        %reduce_sum3A_799 = arith.constant true
        %reduce_sum3A_800 = vector.broadcast %reduce_sum3A_799 : i1 to vector<16xi1>
        %reduce_sum3A_801 = tpu.scan <sum>, %add3A_798 masked %reduce_sum3A_800 : vector<16xf32>, vector<16xi1> -> vector<16xf32>
        %reduce_sum3A_802 = vector.extract %reduce_sum3A_801[15] : f32 from vector<16xf32>
        %eq3A_803 = arith.constant 15 : i32
        %eq3A_804 = vector.broadcast %eq3A_803 : i32 to vector<16xi32>
        %eq3A_805 = arith.cmpi eq, %iota3A, %eq3A_804 : vector<16xi32>
        %broadcast_in_dim3A_806 = vector.broadcast %reduce_sum3A_802 : f32 to vector<16xf32>
        %select_n3A_807 = arith.select %eq3A_805, %broadcast_in_dim3A_806, %select_n3A_771 : vector<16xi1>, vector<16xf32>
        %add3A_808 = vector.broadcast %mul3A_232 : i32 to vector<16xi32>
        %add3A_809 = arith.addi %add3A_808, %iota3A : vector<16xi32>
        %gather3A = tpu.vector_load_idx %arg12[%add3A_809, %get3A_233] : memref<512x64xf32, #tpu.memory_space<vmem>>[vector<16xi32>, vector<16xi32>], vector<16xf32>,
        %get3A_810 = arith.constant 0 : index
        %get3A_811 = tpu.vector_load %arg13[%get3A_810] {strides = array<i32>} : memref<16xf32, #tpu.memory_space<vmem>>, vector<16xf32>,
        %bitcast3A = vector.bitcast %select_n3A_807 : vector<16xf32> to vector<16xi32>
        %shift_right_arithmetic3A = arith.constant 23 : i32
        %shift_right_arithmetic3A_812 = vector.broadcast %shift_right_arithmetic3A : i32 to vector<16xi32>
        %shift_right_arithmetic3A_813 = arith.shrsi %bitcast3A, %shift_right_arithmetic3A_812 : vector<16xi32>
        %and3A = arith.constant 255 : i32
        %and3A_814 = vector.broadcast %and3A : i32 to vector<16xi32>
        %and3A_815 = arith.andi %shift_right_arithmetic3A_813, %and3A_814 : vector<16xi32>
        %sub3A = arith.constant 127 : i32
        %sub3A_816 = vector.broadcast %sub3A : i32 to vector<16xi32>
        %sub3A_817 = arith.subi %and3A_815, %sub3A_816 : vector<16xi32>
        %and3A_818 = arith.constant 8388607 : i32
        %and3A_819 = vector.broadcast %and3A_818 : i32 to vector<16xi32>
        %and3A_820 = arith.andi %bitcast3A, %and3A_819 : vector<16xi32>
        %or3A = arith.constant 1065353216 : i32
        %or3A_821 = vector.broadcast %or3A : i32 to vector<16xi32>
        %or3A_822 = arith.ori %and3A_820, %or3A_821 : vector<16xi32>
        %bitcast3A_823 = vector.bitcast %or3A_822 : vector<16xi32> to vector<16xf32>
        %sub3A_824 = arith.constant 1.000000e+00 : f32
        %sub3A_825 = vector.broadcast %sub3A_824 : f32 to vector<16xf32>
        %sub3A_826 = arith.subf %bitcast3A_823, %sub3A_825 : vector<16xf32>
        %add3A_827 = arith.constant 1.000000e+00 : f32
        %add3A_828 = vector.broadcast %add3A_827 : f32 to vector<16xf32>
        %add3A_829 = arith.addf %bitcast3A_823, %add3A_828 : vector<16xf32>
        %div3A = arith.divf %sub3A_826, %add3A_829 : vector<16xf32>
        %mul3A_830 = arith.mulf %div3A, %div3A : vector<16xf32>
        %mul3A_831 = arith.constant 0.111111112 : f32
        %mul3A_832 = vector.broadcast %mul3A_831 : f32 to vector<16xf32>
        %mul3A_833 = arith.mulf %mul3A_830, %mul3A_832 : vector<16xf32>
        %add3A_834 = arith.constant 0.142857149 : f32
        %add3A_835 = vector.broadcast %add3A_834 : f32 to vector<16xf32>
        %add3A_836 = arith.addf %add3A_835, %mul3A_833 : vector<16xf32>
        %mul3A_837 = arith.mulf %mul3A_830, %add3A_836 : vector<16xf32>
        %add3A_838 = arith.constant 2.000000e-01 : f32
        %add3A_839 = vector.broadcast %add3A_838 : f32 to vector<16xf32>
        %add3A_840 = arith.addf %add3A_839, %mul3A_837 : vector<16xf32>
        %mul3A_841 = arith.mulf %mul3A_830, %add3A_840 : vector<16xf32>
        %add3A_842 = arith.constant 0.333333343 : f32
        %add3A_843 = vector.broadcast %add3A_842 : f32 to vector<16xf32>
        %add3A_844 = arith.addf %add3A_843, %mul3A_841 : vector<16xf32>
        %mul3A_845 = arith.constant 2.000000e+00 : f32
        %mul3A_846 = vector.broadcast %mul3A_845 : f32 to vector<16xf32>
        %mul3A_847 = arith.mulf %mul3A_846, %div3A : vector<16xf32>
        %mul3A_848 = arith.mulf %mul3A_830, %add3A_844 : vector<16xf32>
        %add3A_849 = arith.constant 1.000000e+00 : f32
        %add3A_850 = vector.broadcast %add3A_849 : f32 to vector<16xf32>
        %add3A_851 = arith.addf %add3A_850, %mul3A_848 : vector<16xf32>
        %mul3A_852 = arith.mulf %mul3A_847, %add3A_851 : vector<16xf32>
        %convert_element_type3A_853 = arith.sitofp %sub3A_817 : vector<16xi32> to vector<16xf32>
        %mul3A_854 = arith.constant 0.693147182 : f32
        %mul3A_855 = vector.broadcast %mul3A_854 : f32 to vector<16xf32>
        %mul3A_856 = arith.mulf %convert_element_type3A_853, %mul3A_855 : vector<16xf32>
        %add3A_857 = arith.addf %mul3A_852, %mul3A_856 : vector<16xf32>
        %sub3A_858 = arith.subf %add3A_857, %gather3A : vector<16xf32>
        %add3A_859 = arith.addf %get3A_811, %sub3A_858 : vector<16xf32>
        %swap3A_860 = arith.constant 0 : index
        %swap3A_861 = tpu.vector_load %arg13[%swap3A_860] {strides = array<i32>} : memref<16xf32, #tpu.memory_space<vmem>>, vector<16xf32>,
        tpu.vector_store %arg13[%swap3A_860], %add3A_859 {strides = array<i32>} : memref<16xf32, #tpu.memory_space<vmem>>, vector<16xf32>,
      }
      %scan3A_220 = arith.constant 32 : i32
      %add3A_221 = arith.constant 1 : i32
      %add3A_222 = arith.addi %mul3A_68, %add3A_221 : i32
      %mul3A_223 = arith.constant 512 : i32
      %mul3A_224 = arith.muli %add3A_222, %mul3A_223 : i32
      %add3A_225 = arith.addi %mul3A_4, %mul3A_224 : i32
      %dma_start3A_226 = arith.constant 0 : i32
      %dma_start3A_227 = tpu.memref_slice %arg5[%add3A_225, %dma_start3A_226] : memref<819200x128xf32, #tpu.memory_space<hbm>> -> memref<512x64xf32, #tpu.memory_space<hbm>>
      %dma_start3A_228 = arith.constant 0 : i32
      %dma_start3A_229 = tpu.memref_slice %arg5[%add3A_225, %dma_start3A_228] : memref<819200x128xf32, #tpu.memory_space<hbm>> -> memref<512x64xf32, #tpu.memory_space<hbm>>
      tpu.enqueue_dma source(%arg12 : memref<512x64xf32, #tpu.memory_space<vmem>>) target(%dma_start3A_229 : memref<512x64xf32, #tpu.memory_space<hbm>>) target_semaphore(%arg17 : memref<!tpu.dma_semaphore, #tpu.memory_space<semaphore_mem>>)
    }
    %scan3A_54 = arith.constant 25 : i32
    %add3A_55 = arith.constant 24576 : i32
    %add3A_56 = arith.addi %mul3A_4, %add3A_55 : i32
    %dma_wait3A = arith.constant 0 : i32
    %dma_wait3A_57 = tpu.memref_slice %arg5[%add3A_56, %dma_wait3A] : memref<819200x128xf32, #tpu.memory_space<hbm>> -> memref<512x64xf32, #tpu.memory_space<hbm>>
    %dma_wait3A_58 = arith.constant 0 : i32
    %dma_wait3A_59 = tpu.memref_slice %arg5[%add3A_56, %dma_wait3A_58] : memref<819200x128xf32, #tpu.memory_space<hbm>> -> memref<512x64xf32, #tpu.memory_space<hbm>>
    tpu.wait_dma2 semaphore(%arg16 : memref<!tpu.dma_semaphore, #tpu.memory_space<semaphore_mem>>) src(%arg11 : memref<512x64xf32, #tpu.memory_space<vmem>>) dst(%dma_wait3A_59 : memref<512x64xf32, #tpu.memory_space<hbm>>)
    %add3A_60 = arith.constant 25088 : i32
    %add3A_61 = arith.addi %mul3A_4, %add3A_60 : i32
    %dma_wait3A_62 = arith.constant 0 : i32
    %dma_wait3A_63 = tpu.memref_slice %arg5[%add3A_61, %dma_wait3A_62] : memref<819200x128xf32, #tpu.memory_space<hbm>> -> memref<512x64xf32, #tpu.memory_space<hbm>>
    %dma_wait3A_64 = arith.constant 0 : i32
    %dma_wait3A_65 = tpu.memref_slice %arg5[%add3A_61, %dma_wait3A_64] : memref<819200x128xf32, #tpu.memory_space<hbm>> -> memref<512x64xf32, #tpu.memory_space<hbm>>
    tpu.wait_dma2 semaphore(%arg17 : memref<!tpu.dma_semaphore, #tpu.memory_space<semaphore_mem>>) src(%arg12 : memref<512x64xf32, #tpu.memory_space<vmem>>) dst(%dma_wait3A_65 : memref<512x64xf32, #tpu.memory_space<hbm>>)
    "tpu.region"() ({
      %run_scoped3A = tpu.sem_alloc : memref<!tpu.dma_semaphore, #tpu.memory_space<semaphore_mem>>
      %dma_start3A_66 = arith.constant 0 : i32
      %dma_start3A_67 = tpu.memref_slice %arg6[%add3A, %dma_start3A_66] : memref<32x16xf32, #tpu.memory_space<hbm>> -> memref<1x16xf32, #tpu.memory_space<hbm>>
      %dma_start3A_68 = tpu.memref_squeeze %dma_start3A_67 : memref<1x16xf32, #tpu.memory_space<hbm>> -> memref<16xf32, #tpu.memory_space<hbm>>
      %dma_start3A_69 = arith.constant 0 : i32
      %dma_start3A_70 = tpu.memref_slice %arg6[%add3A, %dma_start3A_69] : memref<32x16xf32, #tpu.memory_space<hbm>> -> memref<1x16xf32, #tpu.memory_space<hbm>>
      %dma_start3A_71 = tpu.memref_squeeze %dma_start3A_70 : memref<1x16xf32, #tpu.memory_space<hbm>> -> memref<16xf32, #tpu.memory_space<hbm>>
      tpu.enqueue_dma source(%arg13 : memref<16xf32, #tpu.memory_space<vmem>>) target(%dma_start3A_71 : memref<16xf32, #tpu.memory_space<hbm>>) target_semaphore(%run_scoped3A : memref<!tpu.dma_semaphore, #tpu.memory_space<semaphore_mem>>)
      %dma_wait3A_72 = arith.constant 0 : i32
      %dma_wait3A_73 = tpu.memref_slice %arg6[%add3A, %dma_wait3A_72] : memref<32x16xf32, #tpu.memory_space<hbm>> -> memref<1x16xf32, #tpu.memory_space<hbm>>
      %dma_wait3A_74 = tpu.memref_squeeze %dma_wait3A_73 : memref<1x16xf32, #tpu.memory_space<hbm>> -> memref<16xf32, #tpu.memory_space<hbm>>
      %dma_wait3A_75 = arith.constant 0 : i32
      %dma_wait3A_76 = tpu.memref_slice %arg6[%add3A, %dma_wait3A_75] : memref<32x16xf32, #tpu.memory_space<hbm>> -> memref<1x16xf32, #tpu.memory_space<hbm>>
      %dma_wait3A_77 = tpu.memref_squeeze %dma_wait3A_76 : memref<1x16xf32, #tpu.memory_space<hbm>> -> memref<16xf32, #tpu.memory_space<hbm>>
      tpu.wait_dma2 semaphore(%run_scoped3A : memref<!tpu.dma_semaphore, #tpu.memory_space<semaphore_mem>>) src(%arg13 : memref<16xf32, #tpu.memory_space<vmem>>) dst(%dma_wait3A_77 : memref<16xf32, #tpu.memory_space<hbm>>)
      tpu.yield
    }) : () -> ()
    return
  }
}

module attributes {stable_mosaic.version = 14 : i64} {
  func.func @_tc_pad_body(%arg0: i32, %arg1: memref<64x16384xf32, #tpu.memory_space<vmem>>, %arg2: memref<16384x128xf32, #tpu.memory_space<vmem>>) attributes {dimension_semantics = [#tpu.dimension_semantics<arbitrary>], iteration_bounds = array<i64: 62>, scalar_prefetch = 0 : i64, scratch_operands = 0 : i64, tpu.core_type = #tpu.core_type<tc>, window_params = [{transform_indices = @transform_0, window_bounds = array<i64: 64, 16384>}, {transform_indices = @transform_1, window_bounds = array<i64: 16384, 128>}]} {
    %get3A = arith.constant 0 : index
    %get3A_0 = arith.constant 0 : index
    %get3A_1 = vector.load %arg1[%get3A, %get3A_0] : memref<64x16384xf32, #tpu.memory_space<vmem>>, vector<64x16384xf32>
    %transpose3A = tpu.transpose %get3A_1, [1, 0] : vector<64x16384xf32> -> vector<16384x64xf32>
    %swap3A = arith.constant 0 : index
    %swap3A_2 = arith.constant 0 : index
    %swap3A_3 = vector.load %arg2[%swap3A, %swap3A_2] : memref<16384x128xf32, #tpu.memory_space<vmem>>, vector<16384x64xf32>
    tpu.vector_store %arg2[%swap3A, %swap3A_2], %transpose3A {strides = array<i32>} : memref<16384x128xf32, #tpu.memory_space<vmem>>, vector<16384x64xf32>,
    return
  }
  func.func @transform_0(%arg0: i32) -> (i32, i32) {
    %c0_i32 = arith.constant 0 : i32
    %c0_i32_0 = arith.constant 0 : i32
    return %c0_i32, %arg0 : i32, i32
  }
  func.func @transform_1(%arg0: i32) -> (i32, i32) {
    %c0_i32 = arith.constant 0 : i32
    %c0_i32_0 = arith.constant 0 : i32
    return %arg0, %c0_i32 : i32, i32
  }
}

</mosaic_0001>

<sc_bundles>
// kernel: kernel.4.cloned.1.call-start
scs
__scs_entry_jumppad:
0x0: {  	(pc) =	sbr.rel $0x88, $3  }
0x1: {  	(tag) =	ssettag $0x0;
	lr =	simm.s32 $0x1  }
0x2: {  	[smem:$0x3F9E] =	sst lr;
	_ =	strace $0xD0000000  }
0x3: {  	_ = 	snop  }
0x4: {  	_ = 	snop  }
0x5: {  	_ = 	snop  }
0x6: {  	_ = 	snop  }
0x7: {  	_ = 	snop  }
__scs_overlays_trampoline_lowered:
0x8: {  	[smem:$0x3FAD] =	sst s0  }
0x9: {  	[smem:$0x3FAE] =	sst s1  }
0xa: {  	[smem:$0x3FAF] =	sst s2  }
0xb: {  	[smem:$0x3FB0] =	sst s3  }
0xc: {  	[smem:$0x3FB1] =	sst s4  }
0xd: {  	[smem:$0x3FB2] =	sst s5  }
0xe: {  	[smem:$0x3FB3] =	sst s6  }
0xf: {  	[smem:$0x3FB4] =	sst s7  }
0x10: {  	[smem:$0x3FB5] =	sst s8  }
0x11: {  	[smem:$0x3FB6] =	sst s9;
	s0 =	simm.s32 @!p0 $0x0  }
0x12: {  	s1 =	sld [smem:$0x3F9C];
	s0 =	simm.s32 @p0 $0x1  }
0x13: {  	[smem:$0x3FB7] =	sst s0;
	s0 =	simm.s32 @!p1 $0x0  }
0x14: {  	s2 =	sld [smem:$0x3F9B];
	s0 =	simm.s32 @p1 $0x1  }
0x15: {  	[smem:$0x3FB8] =	sst s0;
	s0 =	simm.s32 @!p2 $0x0  }
0x16: {  	s3 =	sld [smem:$0x3FDB];
	s0 =	simm.s32 @p2 $0x1  }
0x17: {  	s4 =	simm.s32 $0x1BF5;
	[smem:$0x3FBA] =	sst s0  }
0x18: {  	s0 =	sld [smem:$0x3F9D];
	_ =	swait.ge [sflag:s4], $0x0  }
0x19: {  	s7 =	sld [smem:$0x3F9E]  }
0x1a: {  	s8 =	sadd.s32 $0xFFFFE003, lr  }
0x1b: {  	s9 =	sadd.s32 $0xFFFFFEF7, lr;
	s5 =	simm.s32 $0xFFFFFFFF;
	p2 =	slt.u32 s8, $0xFFFFF086  }
0x1c: {  	p1 =	slt.u32 s9, $0xF7A;
	s5 =	simm.s32 @!p2 $0x0  }
0x1d: {  	s5 =	simm.s32 @p1 $0x1;
	p0 =	seq.s32 s7, s2  }
0x1e: {  	s7 =	smul.u32 @!p0 $0xF7A, s2;
	p2 =	seq.s32 @!p0 s5, $0x0  }
0x1f: {  	s9 =	smul.u32 $0xF7A, s1;
	s8 =	simm.s32 @!p0 $0x1BF5;
	p2 =	por !p2, p0  }
0x20: {  	[sflag:s8] =	ssyncset.s32 @!p0 $0xFFFFF086;
	s6 =	sadd.s32 @!p0 s3, s7;
	s7 =	simm.s32 @!p0 $0x108  }
0x21: {  	s3 =	sadd.s32 s3, s9;
	s6 =	sadd.s32 @!p0 $0x88, s6;
	s7 =	simm.s32 @p2 $0x1082  }
0x22: {  	[simem:s7], [sflag:s8] =	dma.local @!p0 [hbm:s6], $0xF7A  }
0x23: {  	s9 =	sor.u32 $0xD0000000, s2;
	s6 =	simm.s32 $0x108;
	_ =	swait.ge @!p0 [sflag:s8], $0x0  }
0x24: {  	s3 =	sadd.s32 $0x88, s3;
	s6 =	simm.s32 @!p1 $0x1082;
	[sflag:s4] =	ssyncset.s32 $0xFFFFF086  }
0x25: {  	[simem:s6], [sflag:s4] =	dma.local [hbm:s3], $0xF7A  }
0x26: {  	[smem:$0x3F9E] =	sst s1;
	(tag) =	ssettag s2;
	_ =	strace s9  }
0x27: {  	s1 =	sld [smem:$0x3FAE]  }
0x28: {  	s2 =	sld [smem:$0x3FAF]  }
0x29: {  	s4 =	sld [smem:$0x3FB1]  }
0x2a: {  	p0 =	seq.s32 s5, $0x0;
	s5 =	sld [smem:$0x3FB2]  }
0x2b: {  	s6 =	sld [smem:$0x3FB3]  }
0x2c: {  	s7 =	sld [smem:$0x3FB4]  }
0x2d: {  	s3 =	simm.s32 $0x108;
	s8 =	sld [smem:$0x3FB5]  }
0x2e: {  	s3 =	simm.s32 @!p0 $0x1082;
	s9 =	sld [smem:$0x3FB6]  }
0x2f: {  	lr =	sadd.s32 s0, s3;
	s0 =	sld [smem:$0x3FAD]  }
0x30: {  	s3 =	sld [smem:$0x3FB0]  }
0x31: {  	[smem:$0x3FB9] =	sst s10  }
0x32: {  	s10 =	sld [smem:$0x3FB7];
	_ =	sdelay $0x3  }
0x33: {  	p0 =	seq.s32 s10, $0x1;
	s10 =	sld [smem:$0x3FB9];
	_ =	sdelay $0x3  }
0x34: {  	[smem:$0x3FB9] =	sst s10  }
0x35: {  	s10 =	sld [smem:$0x3FB8];
	_ =	sdelay $0x3  }
0x36: {  	p1 =	seq.s32 s10, $0x1;
	s10 =	sld [smem:$0x3FB9];
	_ =	sdelay $0x3  }
0x37: {  	[smem:$0x3FB9] =	sst s10  }
0x38: {  	s10 =	sld [smem:$0x3FBA]  }
0x39: {  	_ = 	snop;
	(pc) =	sbr.ind lr, $3  }
0x3a: {  	_ = 	snop  }
0x3b: {  	_ = 	snop  }
0x3c: {  	p2 =	seq.s32 s10, $0x1;
	s10 =	sld [smem:$0x3FB9]  }
0x3d: {  	_ =	shalt  }
0x3e: {  	_ =	shalt  }
0x3f: {  	_ =	shalt  }
0x40: {  	_ =	shalt  }
0x41: {  	_ =	shalt  }
0x42: {  	_ =	shalt  }
0x43: {  	_ =	shalt  }
0x44: {  	_ =	shalt  }
0x45: {  	_ =	shalt  }
0x46: {  	_ =	shalt  }
0x47: {  	_ =	shalt  }
0x48: {  	_ =	shalt  }
0x49: {  	_ =	shalt  }
0x4a: {  	_ =	shalt  }
0x4b: {  	_ =	shalt  }
0x4c: {  	_ =	shalt  }
0x4d: {  	_ =	shalt  }
0x4e: {  	_ =	shalt  }
0x4f: {  	_ =	shalt  }
0x50: {  	_ =	shalt  }
0x51: {  	_ =	shalt  }
0x52: {  	_ =	shalt  }
0x53: {  	_ =	shalt  }
0x54: {  	_ =	shalt  }
0x55: {  	_ =	shalt  }
0x56: {  	_ =	shalt  }
0x57: {  	_ =	shalt  }
0x58: {  	_ =	shalt  }
0x59: {  	_ =	shalt  }
0x5a: {  	_ =	shalt  }
0x5b: {  	_ =	shalt  }
0x5c: {  	_ =	shalt  }
0x5d: {  	_ =	shalt  }
0x5e: {  	_ =	shalt  }
0x5f: {  	_ =	shalt  }
0x60: {  	_ =	shalt  }
0x61: {  	_ =	shalt  }
0x62: {  	_ =	shalt  }
0x63: {  	_ =	shalt  }
0x64: {  	_ =	shalt  }
0x65: {  	_ =	shalt  }
0x66: {  	_ =	shalt  }
0x67: {  	_ =	shalt  }
0x68: {  	_ =	shalt  }
0x69: {  	_ =	shalt  }
0x6a: {  	_ =	shalt  }
0x6b: {  	_ =	shalt  }
0x6c: {  	_ =	shalt  }
0x6d: {  	_ =	shalt  }
0x6e: {  	_ =	shalt  }
0x6f: {  	_ =	shalt  }
0x70: {  	_ =	shalt  }
0x71: {  	_ =	shalt  }
0x72: {  	_ =	shalt  }
0x73: {  	_ =	shalt  }
0x74: {  	_ =	shalt  }
0x75: {  	_ =	shalt  }
0x76: {  	_ =	shalt  }
0x77: {  	_ =	shalt  }
0x78: {  	_ =	shalt  }
0x79: {  	_ =	shalt  }
0x7a: {  	_ =	shalt  }
0x7b: {  	_ =	shalt  }
0x7c: {  	_ =	shalt  }
0x7d: {  	_ =	shalt  }
0x7e: {  	_ =	shalt  }
0x7f: {  	_ =	shalt  }
0x80: {  	_ =	shalt  }
0x81: {  	_ =	shalt  }
0x82: {  	_ =	shalt  }
0x83: {  	_ =	shalt  }
0x84: {  	_ =	shalt  }
0x85: {  	_ =	shalt  }
0x86: {  	_ =	shalt  }
0x87: {  	_ =	shalt  }
.Lfunc_end0:
.L_simem_size_0:
called_computation.1_lowered:
.L_overlay_start_0:
0x88: {  	s2 =	sld [smem:$0x3FD9]  }
0x89: {  	s3 =	sld [smem:$0x3FFE];
	_ =	sdelay $0x1  }
0x8a: {  	s1 =	srdreg.scid  }
0x8b: {  	s0 =	sand.u32 $0x1, s1  }
0x8c: {  	s14 =	sshll.u32 s0, $0xA;
	s2 =	sadd.s32 s3, s2  }
0x8d: {  	s2 =	sadd.s32 s2, s14  }
0x8e: {  	[smem:$0x3FC5] =	sst s2  }
0x8f: {  	_ = 	snop  }
0x90: {  	s2 =	sld [smem:$0x3FD0];
	_ =	sdelay $0x2  }
0x91: {  	s15 =	simm.s32 $0xA;
	s4 =	simm.s32 $0x10  }
0x92: {  	[smem:s4], [sflag:s15] =	dma.local [hbm:s2], $0x1  }
0x93: {  	_ =	swait.eq [sflag:s15], $0x1  }
0x94: {  	[sflag:s15] =	ssyncset.done $0x0  }
0x95: {  	[sflag:s15] =	ssyncadd.s32 $0xFFFFFFFF  }
0x96: {  	s16 =	sld [smem:$0x10];
	(tm) =	ssettm $0x1  }
0x97: {  	s17 =	sld [smem:$0x3FFB];
	_ =	sdelay $0x3  }
0x98: {  	_ =	strace s17  }
0x99: {  	s3 =	sld [smem:$0x3FFC];
	_ =	sdelay $0x3  }
0x9a: {  	_ =	strace s3  }
0x9b: {  	s3 =	sld [smem:$0x3FFD];
	_ =	sdelay $0x3  }
0x9c: {  	_ =	strace s3  }
0x9d: {  	_ =	strace $0x8FFFFFFF  }
0x9e: {  	s18 =	sld [smem:$0x3FDB];
	_ =	sdelay $0x1  }
0x9f: {  	s19 =	simm.s32 $_scs_section_size  }
0xa0: {  	s5 =	simm.s32 $_size__tile_overlayer_lowered;
	s6 =	simm.s32 $_tile_overlayer_lowered  }
0xa1: {  	s22 =	simm.s32 $0x1BFF;
	s21 =	sshll.u32 s6, $0x1;
	s3 =	sadd.s32 s19, s18  }
0xa2: {  	s7 =	simm.s32 $0x0;
	s20 =	sshll.u32 s5, $0x1;
	s5 =	sadd.s32 s21, s3  }
0xa3: {  	[timem:s7], [sflag:s22] =	dma.local [hbm:s5], s20  }
0xa4: {  	_ =	swait.ge [sflag:s22], s20  }
0xa5: {  	s4 =	ssub.s32 $0x0, s20;
	[sflag:s22] =	ssyncset.done $0x0  }
0xa6: {  	[sflag:s22] =	ssyncadd.s32 s4;
	_ =	sdelay $0x1  }
0xa7: {  	s23 =	simm.s32 $0x1B8B  }
0xa8: {  	_ =	swait.ge [sflag:s23], $0x1  }
0xa9: {  	[sflag:s23] =	ssyncset.done $0x0  }
0xaa: {  	s25 =	simm.s32 $0x1B8E;
	s24 =	sld [smem:$0x3FFE];
	[sflag:s23] =	ssyncadd.s32 $0xFFFFFFFF  }
0xab: {  	s26 =	simm.s32 $execute0_lowered;
	[smem:$0x3FD2] =	sst s25  }
0xac: {  	s5 =	sshll.u32 s26, $0x1;
	_ =	strace $0x80000046;
	[dreg:$0x1] =	wrdreg $0xFFFFFFFF  }
0xad: {  	s28 =	simm.s32 $_size_execute0_lowered;
	s3 =	sadd.s32 s3, s5;
	[dreg:$0x0] =	wrdreg $0x0  }
0xae: {  	s5 =	sshll.u32 s28, $0x1;
	[dreg:$0x2] =	wrdreg s3  }
0xaf: {  	[dreg:$0x3] =	wrdreg s5  }
0xb0: {  	[dreg:$0x4] =	wrdreg $0xC0  }
0xb1: {  	_ =	task [dreg:s7], $0x5FFFF  }
0xb2: {  	[dreg:$0x1] =	wrdreg $0xFFFFFFFF  }
0xb3: {  	[dreg:$0x0] =	wrdreg $0x60  }
0xb4: {  	[dreg:$0x2] =	wrdreg s16  }
0xb5: {  	[dreg:$0x3] =	wrdreg s24  }
0xb6: {  	[dreg:$0x4] =	wrdreg $0x9  }
0xb7: {  	_ =	task.clear_ibuf [dreg:s7], $0x5FFFF;
	_ =	strace $0x90000046  }
0xb8: {  	s29 =	simm.s32 $0x9;
	_ =	strace $0x80000048  }
0xb9: {  	_ =	swait.ge [sflag:s29], $0x1  }
0xba: {  	[sflag:s29] =	ssyncadd.s32 $0xFFFFFFFF  }
0xbb: {  	_ =	strace $0x90000048  }
0xbc: {  	_ =	sfence  }
0xbd: {  	s30 =	sld [smem:$0x0];
	_ =	sdelay $0x2  }
0xbe: {  	s31 =	sshll.u32 s1, $0xD;
	s1 =	sshrl.u32 s1, $0x2  }
0xbf: {  	s3 =	sand.u32 $0x4000, s31;
	s1 =	sadd.s32 s1, s30  }
0xc0: {  	s0 =	sor.u32 s3, s0;
	s1 =	sshll.u32 s1, $0x11  }
0xc1: {  	s0 =	sor.u32 s1, s0  }
0xc2: {  	s0 =	sadd.s32 $0x8F2B, s0  }
0xc3: {  	[sflag:s0] =	ssyncadd.remote.s32 $0x1  }
0xc4: {  	_ =	sfence.sel $0xFFFF  }
0xc5: {  	[dreg:$0x0] =	wrdreg $0xFFFFFFFF;
	(pc) =	sbr.abs _section_cstart, $3  }
0xc6: {  	[dreg:$0x1] =	wrdreg $0xFFFFFFFF  }
0xc7: {  	_ =	task.clear_ibuf [dreg:s7], $0x2FFFF;
	_ =	strace $0x9FFFFFFF  }
0xc8: {  	(tm) =	ssettm $0x7FFFFFFF  }
0xc9: {  	_ =	shalt  }
tec
execute0_lowered:
.L_overlay_start_1:
0x0: {  	(tag) =	ssettag $0x1  }
0x1: {  	s1 =	rddreg [dreg:$0x0]  }
0x2: {  	s0 =	rddreg [dreg:$0x1]  }
0x3: {  	s3 =	simm.s32 $0x0;
	s2 =	srdreg.scid;
	s4 =	stileid.u32  }
0x4: {  	s14 =	simm.s32 $0x5;
	s16 =	simm.s32 $0x80;
	s17 =	simm.s32 $0x800  }
0x5: {  	s23 =	simm.s32 $0x200;
	s28 =	simm.s32 $0xA800;
	s29 =	simm.s32 $0x300  }
0x6: {  	s30 =	simm.s32 $0xC800;
	s31 =	simm.s32 $0x380;
	s15 =	simm.s32 $0x40  }
0x7: {  	s18 =	simm.s32 $0x2;
	s20 =	simm.s32 $0x4;
	s22 =	simm.s32 $0x0  }
0x8: {  	[smem:$0x7FF] =	sst s3;
	s2 =	sand.u32 $0x1, s2;
	s6 =	sshll.u32 s4, $0x1  }
0x9: {  	s4 =	sadd.s32 $0xC00, s0;
	s5 =	sadd.s32 $0x19C00, s0;
	s7 =	sor.u32 s2, s6  }
0xa: {  	_ =	strace $0x80000047;
	s2 =	ssub.s32 $0x2, s2;
	s9 =	smul.u32 $0xC80, s7  }
0xb: {  	s6 =	sadd.s32 $0xF5C200, s0;
	s8 =	sshll.u32 s7, $0x1;
	s24 =	sshrl.u32 s2, $0x1  }
0xc: {  	v0 =	vimm.f32 $0.0e+00;
	vm0 =	vmmov $0x1;
	vm1 =	vmmov $0x3;
	s0 =	sadd.s32 s8, s0;
	s2 =	ssub.s32 s2, s24;
	s25 =	sadd.s32 s1, s9  }
0xd: {  	vm2 =	vmmov $0x7;
	vm3 =	vmmov $0xf;
	vm4 =	vmmov $0x1f;
	s8 =	smul.u32 $0x6400, s7;
	s10 =	sadd.s32 s4, s9;
	[dreg:$0x3] =	wrdreg s25  }
0xe: {  	vm5 =	vmmov $0x3f;
	vm6 =	vmmov $0x7f;
	vm7 =	vmmov $0xff;
	s24 =	simm.s32 $0x600;
	s0 =	sadd.s32 $0xF5C000, s0;
	[dreg:$0x4] =	wrdreg s10  }
0xf: {  	vm8 =	vmmov $0x1ff;
	vm9 =	vmmov $0x3ff;
	vm10 =	vmmov $0x7ff;
	s26 =	smax.u32 s2, $0x1;
	s13 =	sadd.s32 $0x80, s9;
	[dreg:$0x5] =	wrdreg s0  }
0x10: {  	vm11 =	vmmov $0xfff;
	vm12 =	vmmov $0x1fff;
	v1 =	vlaneseq.u32;
	s2 =	simm.s32 $0x1;
	s10 =	smul.u32 $0x320000, s7;
	[dreg:$0x6] =	wrdreg s26  }
0x11: {  	vm13 =	vmmov $0x3fff;
	vm14 =	vmmov $0x7fff;
	v1 =	vmul.u32 $0x40, v1;
	s25 =	simm.s32 $0x8800;
	s26 =	simm.s32 $0x280;
	s0 =	simm.s32 $0xE800  }
.LBB2_1:
0x12: {  	[tilespmem:$0x10800] =	vst v0;
	s7 =	rddreg [dreg:$0x3]  }
0x13: {  	[tilespmem:s3], [sflag:$0x5] =	stream.linear.gather [hbm4b:s7+s3], $0x200, $0x38;
	[tilespmem:$0x10810] =	vst v63  }
0x14: {  	_ =	swait.ge [sflag:s14], $0x200  }
0x15: {  	[sflag:s14] =	ssyncset.done $0x0  }
0x16: {  	s9 =	simm.s32 $0x400;
	s21 =	rddreg [dreg:$0x4];
	[sflag:s14] =	ssyncadd.s32 $0xFFFFFE00  }
0x17: {  	[tilespmem:s9], [sflag:$0x5] =	stream.linear.gather [hbm4b:s21+s3], $0x200, $0x38;
	[tilespmem:$0x10810] =	vst v63  }
0x18: {  	_ =	swait.ge [sflag:s14], $0x200  }
0x19: {  	[sflag:s14] =	ssyncset.done $0x0  }
0x1a: {  	[sflag:s14] =	ssyncadd.s32 $0xFFFFFE00  }
0x1b: {  	[tilespmem:s17], [sflag:$0x1] =	stream.indirect.gather [hbm4b:s5+s16], $0x40, s3, s16, $0xb8;
	[tilespmem:$0x10810] =	vst v63  }
0x1c: {  	s9 =	simm.s32 $0x2800  }
0x1d: {  	[tilespmem:s9], [sflag:$0x1] =	stream.indirect.gather [hbm4b:s5+s16], $0x40, s16, s16, $0xb8;
	[tilespmem:$0x10810] =	vst v63  }
0x1e: {  	s11 =	simm.s32 $0x100;
	s12 =	simm.s32 $0x4800  }
0x1f: {  	[tilespmem:s12], [sflag:$0x1] =	stream.indirect.gather [hbm4b:s5+s16], $0x40, s11, s16, $0xb8;
	[tilespmem:$0x10810] =	vst v63  }
0x20: {  	s19 =	simm.s32 $0x180;
	s21 =	simm.s32 $0x6800  }
0x21: {  	[tilespmem:s21], [sflag:$0x1] =	stream.indirect.gather [hbm4b:s5+s16], $0x40, s19, s16, $0xb8;
	[tilespmem:$0x10810] =	vst v63  }
0x22: {  	s21 =	simm.s32 $0x0  }
.LBB2_2:
0x23: {  	s7 =	sshllo.u32 s21, $0x1  }
0x24: {  	s9 =	sshll.u32 s7, $0x9  }
0x25: {  	s9 =	sadd.s32 s8, s9  }
0x26: {  	s9 =	sshrl.u32 s9, $0x3  }
0x27: {  	s11 =	sadd.s32 s1, s9  }
0x28: {  	[tilespmem:s23], [sflag:$0x5] =	stream.linear.gather [hbm4b:s11+s3], $0x200, $0x38;
	[tilespmem:$0x10810] =	vst v63  }
0x29: {  	_ =	swait.ge [sflag:s14], $0x200  }
0x2a: {  	[sflag:s14] =	ssyncset.done $0x0  }
0x2b: {  	s9 =	sadd.s32 s4, s9;
	[sflag:s14] =	ssyncadd.s32 $0xFFFFFE00  }
0x2c: {  	[tilespmem:s24], [sflag:$0x5] =	stream.linear.gather [hbm4b:s9+s3], $0x200, $0x38;
	[tilespmem:$0x10810] =	vst v63  }
0x2d: {  	_ =	swait.ge [sflag:s14], $0x200  }
0x2e: {  	p0 =	seq.s32 s21, $0x0;
	[sflag:s14] =	ssyncset.done $0x0  }
0x2f: {  	s9 =	simm.s32 @!p0 $0x4;
	[sflag:s14] =	ssyncadd.s32 $0xFFFFFE00  }
0x30: {  	_ =	swait.ge @!p0 [sflag:s9], $0x8000  }
0x31: {  	[sflag:s9] =	ssyncset.done @!p0 $0x0  }
0x32: {  	[sflag:s9] =	ssyncadd.s32 @!p0 $0xFFFF8000  }
0x33: {  	[tilespmem:s25], [sflag:$0x2] =	stream.indirect.gather [hbm4b:s5+s16], $0x40, s23, s16, $0xb8;
	[tilespmem:$0x10810] =	vst v63  }
0x34: {  	_ = 	snop  }
0x35: {  	[tilespmem:s28], [sflag:$0x2] =	stream.indirect.gather [hbm4b:s5+s16], $0x40, s26, s16, $0xb8;
	[tilespmem:$0x10810] =	vst v63  }
0x36: {  	_ = 	snop  }
0x37: {  	[tilespmem:s30], [sflag:$0x2] =	stream.indirect.gather [hbm4b:s5+s16], $0x40, s29, s16, $0xb8;
	[tilespmem:$0x10810] =	vst v63  }
0x38: {  	_ = 	snop  }
0x39: {  	[tilespmem:s0], [sflag:$0x2] =	stream.indirect.gather [hbm4b:s5+s16], $0x40, s31, s16, $0xb8;
	[tilespmem:$0x10810] =	vst v63  }
0x3a: {  	_ =	swait.ge [sflag:s2], $0x2000  }
0x3b: {  	[sflag:s2] =	ssyncset.done $0x0  }
0x3c: {  	[sflag:s2] =	ssyncadd.s32 $0xFFFFE000  }
0x3d: {  	_ =	swait.ge [sflag:s2], $0x2000  }
0x3e: {  	[sflag:s2] =	ssyncset.done $0x0  }
0x3f: {  	[sflag:s2] =	ssyncadd.s32 $0xFFFFE000  }
0x40: {  	_ =	swait.ge [sflag:s2], $0x2000  }
0x41: {  	[sflag:s2] =	ssyncset.done $0x0  }
0x42: {  	[sflag:s2] =	ssyncadd.s32 $0xFFFFE000  }
0x43: {  	_ =	swait.ge [sflag:s2], $0x2000  }
0x44: {  	s12 =	simm.s32 $0xA00;
	[sflag:s2] =	ssyncset.done $0x0  }
0x45: {  	s11 =	simm.s32 $0x400;
	s9 =	simm.s32 $0x0;
	[sflag:s2] =	ssyncadd.s32 $0xFFFFE000  }
.LBB2_3:
0x46: {  	v2 =	vld [tilespmem:s12+$0xFFFFFE00]  }
0x47: {  	v3 =	vld [tilespmem:s12+$0xFFFFFE10]  }
0x48: {  	v4 =	vld [tilespmem:s12+$0xFFFFFE20]  }
0x49: {  	v5 =	vld [tilespmem:s12+$0xFFFFFE30]  }
0x4a: {  	v6 =	vld [tilespmem:s12+$0xFFFFFE40]  }
0x4b: {  	v7 =	vld [tilespmem:s12+$0xFFFFFE50]  }
0x4c: {  	v8 =	vld [tilespmem:s12+$0xFFFFFE60];
	v2 =	vmul.f32 $1.442695020e+00, v2  }
0x4d: {  	v25 =	vld [tilespmem:s12+$0xFFFFFE70];
	v3 =	vmul.f32 $1.442695020e+00, v3  }
0x4e: {  	v26 =	vld [tilespmem:s12+$0xFFFFFE80];
	(erf) = vpow2.f32 v2;
	v2 =	vmul.f32 $1.442695020e+00, v4  }
0x4f: {  	v27 =	vld [tilespmem:s12+$0xFFFFFE90];
	(erf) = vpow2.f32 v3;
	v3 =	vmul.f32 $1.442695020e+00, v5  }
0x50: {  	v28 =	vld [tilespmem:s12+$0xFFFFFEA0];
	(erf) = vpow2.f32 v2;
	v2 =	vmul.f32 $1.442695020e+00, v6  }
0x51: {  	v29 =	vld [tilespmem:s12+$0xFFFFFEB0];
	(erf) = vpow2.f32 v3;
	v3 =	vmul.f32 $1.442695020e+00, v7  }
0x52: {  	v9 =	vld [tilespmem:s12+$0xFFFFFEC0];
	(erf) = vpow2.f32 v2;
	v2 =	vmul.f32 $1.442695020e+00, v8  }
0x53: {  	v31 =	vld [tilespmem:s12+$0xFFFFFEE0];
	(erf) = vpow2.f32 v3;
	v3 =	vmul.f32 $1.442695020e+00, v25  }
0x54: {  	v10 =	vld [tilespmem:s12+$0xFFFFFF00];
	(erf) = vpow2.f32 v2;
	v2 =	vmul.f32 $1.442695020e+00, v26  }
0x55: {  	v30 =	vld [tilespmem:s12+$0xFFFFFED0];
	(erf) = vpow2.f32 v3;
	v3 =	vmul.f32 $1.442695020e+00, v27  }
0x56: {  	v13 =	vld [tilespmem:s12+$0xFFFFFF20];
	(erf) = vpow2.f32 v2;
	v2 =	vmul.f32 $1.442695020e+00, v28  }
0x57: {  	v32 =	vld [tilespmem:s12+$0xFFFFFEF0];
	v4 =	vpop (erf);
	(erf) = vpow2.f32 v3;
	v3 =	vmul.f32 $1.442695020e+00, v29  }
0x58: {  	v16 =	vld [tilespmem:s12+$0xFFFFFF50];
	v11 =	vpop (erf);
	(erf) = vpow2.f32 v2;
	v2 =	vmul.f32 $1.442695020e+00, v9  }
0x59: {  	v33 =	vld [tilespmem:s12+$0xFFFFFF10];
	v34 =	vmul.f32 $1.442695020e+00, v31;
	v10 =	vmul.f32 $1.442695020e+00, v10  }
0x5a: {  	v19 =	vld [tilespmem:s12+$0xFFFFFF60];
	v8 =	vpop (erf);
	(erf) = vpow2.f32 v3;
	v3 =	vmul.f32 $1.442695020e+00, v30  }
0x5b: {  	v14 =	vld [tilespmem:s12+$0xFFFFFF30];
	v36 =	vmul.f32 $1.442695020e+00, v13;
	v17 =	vpop (erf);
	(erf) = vpow2.f32 v2  }
0x5c: {  	v35 =	vld [tilespmem:s12+$0xFFFFFF40];
	v2 =	vpop (erf);
	(erf) = vpow2.f32 v3;
	v3 =	vmul.f32 $1.442695020e+00, v32  }
0x5d: {  	v37 =	vld [tilespmem:s12+$0xFFFFFF70];
	v39 =	vmul.f32 $1.442695020e+00, v16;
	v6 =	vpop (erf);
	(erf) = vpow2.f32 v34  }
0x5e: {  	v5 =	vpop (erf);
	(erf) = vpow2.f32 v3;
	v3 =	vmul.f32 $1.442695020e+00, v33  }
0x5f: {  	v38 =	vld [tilespmem:s12+$0xFFFFFF80];
	v40 =	vmul.f32 $1.442695020e+00, v19;
	v12 =	vpop (erf);
	(erf) = vpow2.f32 v10  }
0x60: {  	v9 =	vpop (erf);
	(erf) = vpow2.f32 v3;
	v3 =	vmul.f32 $1.442695020e+00, v14  }
0x61: {  	v7 =	vmul.f32 $1.442695020e+00, v35;
	v18 =	vpop (erf);
	(erf) = vpow2.f32 v36  }
0x62: {  	v20 =	vld [tilespmem:s12+$0xFFFFFF90];
	v13 =	vmul.f32 $1.442695020e+00, v37;
	v15 =	vpop (erf);
	(erf) = vpow2.f32 v3  }
0x63: {  	v21 =	vld [tilespmem:s12+$0xFFFFFFA0];
	v4 =	vadd.f32 v11, v4;
	v8 =	vadd.f32 v17, v8;
	v22 =	vpop (erf);
	(erf) = vpow2.f32 v7  }
0x64: {  	v41 =	vld [tilespmem:s12+$0xFFFFFFB0];
	v14 =	vmul.f32 $1.442695020e+00, v38;
	v3 =	vpop (erf);
	(erf) = vpow2.f32 v39  }
0x65: {  	v23 =	vld [tilespmem:s12+$0xFFFFFFC0];
	v4 =	vadd.f32 v8, v4;
	v10 =	vpop (erf);
	(erf) = vpow2.f32 v40  }
0x66: {  	v24 =	vld [tilespmem:s12+$0xFFFFFFD0];
	v7 =	vpop (erf);
	(erf) = vpow2.f32 v13  }
0x67: {  	v43 =	vld [tilespmem:s12+$0xFFFFFFE0];
	v42 =	vmul.f32 $1.442695020e+00, v20;
	(xrf2) =	vadd.scan.msk.f32 $0xffff, v4;
	v16 =	vpop (erf);
	(erf) = vpow2.f32 v14  }
0x68: {  	v21 =	vmul.f32 $1.442695020e+00, v21;
	v25 =	vld [tilespmem:s12+$0xFFFFFFF0];
	v14 =	vpop (erf)  }
0x69: {  	v45 =	vld [tilespmem:s12+$0x0];
	v44 =	vmul.f32 $1.442695020e+00, v41;
	(erf) = vpow2.f32 v42;
	v26 =	vpop (erf)  }
0x6a: {  	v47 =	vld [tilespmem:s12+$0x10];
	v46 =	vmul.f32 $1.442695020e+00, v23;
	(erf) = vpow2.f32 v21;
	v27 =	vpop (erf)  }
0x6b: {  	v24 =	vmul.f32 $1.442695020e+00, v24;
	v28 =	vld [tilespmem:s12+$0x20];
	(erf) = vpow2.f32 v44;
	v29 =	vpop (erf)  }
0x6c: {  	v48 =	vld [tilespmem:s12+$0x30];
	v20 =	vmul.f32 $1.442695020e+00, v43;
	(erf) = vpow2.f32 v46;
	v13 =	vpop (erf)  }
0x6d: {  	v50 =	vld [tilespmem:s12+$0x40];
	v49 =	vmul.f32 $1.442695020e+00, v25;
	(erf) = vpow2.f32 v24;
	v30 =	vpop (erf)  }
0x6e: {  	v51 =	vmul.f32 $1.442695020e+00, v45;
	v31 =	vld [tilespmem:s12+$0x50];
	(erf) = vpow2.f32 v20;
	v19 =	vpop (erf)  }
0x6f: {  	v52 =	vld [tilespmem:s12+$0x60];
	v23 =	vmul.f32 $1.442695020e+00, v47;
	(erf) = vpow2.f32 v49;
	v32 =	vpop (erf)  }
0x70: {  	v54 =	vld [tilespmem:s12+$0x70];
	v53 =	vmul.f32 $1.442695020e+00, v28;
	(erf) = vpow2.f32 v51;
	v33 =	vpop (erf)  }
0x71: {  	v55 =	vld [tilespmem:s12+$0x80];
	v21 =	vmul.f32 $1.442695020e+00, v48;
	(erf) = vpow2.f32 v23;
	v19 =	vadd.f32 v32, v19;
	v32, _, _ =	vpop (xrf2)  }
0x72: {  	v57 =	vld [tilespmem:s12+$0x90];
	v56 =	vmul.f32 $1.442695020e+00, v50;
	v34 =	vpop (erf);
	(erf) = vpow2.f32 v53  }
0x73: {  	v59 =	vld [tilespmem:s12+$0xA0];
	v58 =	vmul.f32 $1.442695020e+00, v31;
	v35 =	vpop (erf);
	(erf) = vpow2.f32 v21  }
0x74: {  	v61 =	vld [tilespmem:s12+$0xB0];
	v60 =	vmul.f32 $1.442695020e+00, v52;
	v36 =	vpop (erf);
	(erf) = vpow2.f32 v56  }
0x75: {  	v63 =	vld [tilespmem:s12+$0xC0];
	v62 =	vmul.f32 $1.442695020e+00, v54;
	v37 =	vpop (erf);
	(erf) = vpow2.f32 v58  }
0x76: {  	v45 =	vld [tilespmem:s12+$0xD0];
	v2 =	vadd.f32 v6, v2;
	v44 =	vmul.f32 $1.442695020e+00, v55;
	v38 =	vpop (erf);
	(erf) = vpow2.f32 v60  }
0x77: {  	v47 =	vld [tilespmem:s12+$0xE0];
	v5 =	vadd.f32 v12, v5;
	v46 =	vmul.f32 $1.442695020e+00, v57;
	v39 =	vpop (erf);
	(erf) = vpow2.f32 v62  }
0x78: {  	v48 =	vmul.f32 $1.442695020e+00, v59;
	v49 =	vld [tilespmem:s12+$0xF0];
	v40 =	vpop (erf);
	(erf) = vpow2.f32 v44  }
0x79: {  	v50 =	vmul.f32 $1.442695020e+00, v61;
	v2 =	vadd.f32 v5, v2;
	v51 =	vld [tilespmem:s12+$0x100];
	v41 =	vpop (erf);
	(erf) = vpow2.f32 v46  }
0x7a: {  	v52 =	vmul.f32 $1.442695020e+00, v63;
	v53 =	vld [tilespmem:s12+$0x110];
	v42 =	vpop (erf);
	(erf) = vpow2.f32 v48  }
0x7b: {  	v9 =	vadd.f32 v18, v9;
	v15 =	vadd.f32 v22, v15;
	(xrf2) =	vadd.scan.msk.f32 $0xffff, v2;
	v55 =	vld [tilespmem:s12+$0x120];
	v11 =	vpop (erf);
	(erf) = vpow2.f32 v50  }
0x7c: {  	v54 =	vmul.f32 $1.442695020e+00, v45;
	v57 =	vld [tilespmem:s12+$0x130];
	v56 =	vmul.f32 $1.442695020e+00, v47;
	v17 =	vpop (erf)  }
0x7d: {  	v9 =	vadd.f32 v15, v9;
	v59 =	vld [tilespmem:s12+$0x140];
	v58 =	vmul.f32 $1.442695020e+00, v49;
	(erf) = vpow2.f32 v52;
	v43 =	vpop (erf)  }
0x7e: {  	v61 =	vld [tilespmem:s12+$0x150];
	v3 =	vadd.f32 v10, v3;
	v60 =	vmul.f32 $1.442695020e+00, v51;
	(erf) = vpow2.f32 v54;
	v8 =	vpop (erf)  }
0x7f: {  	v63 =	vld [tilespmem:s12+$0x160];
	v7 =	vadd.f32 v16, v7;
	v62 =	vmul.f32 $1.442695020e+00, v53;
	(erf) = vpow2.f32 v56;
	v6 =	vpop (erf)  }
0x80: {  	v14 =	vadd.f32 v26, v14;
	v53 =	vld [tilespmem:s12+$0x1B0];
	v44 =	vmul.f32 $1.442695020e+00, v55;
	(erf) = vpow2.f32 v58;
	v12 =	vpop (erf)  }
0x81: {  	v45 =	vld [tilespmem:s12+$0x170];
	v27 =	vadd.f32 v29, v27;
	v46 =	vmul.f32 $1.442695020e+00, v57;
	(erf) = vpow2.f32 v60;
	v18 =	vpop (erf)  }
0x82: {  	v3 =	vadd.f32 v7, v3;
	v47 =	vld [tilespmem:s12+$0x180];
	v48 =	vmul.f32 $1.442695020e+00, v59;
	(erf) = vpow2.f32 v62;
	v22 =	vpop (erf)  }
0x83: {  	v14 =	vadd.f32 v27, v14;
	v49 =	vld [tilespmem:s12+$0x190];
	v50 =	vmul.f32 $1.442695020e+00, v61;
	(erf) = vpow2.f32 v44;
	v5 =	vpop (erf)  }
0x84: {  	v13 =	vadd.f32 v30, v13;
	v51 =	vld [tilespmem:s12+$0x1A0];
	v52 =	vmul.f32 $1.442695020e+00, v63;
	(erf) = vpow2.f32 v46;
	v15 =	vpop (erf)  }
0x85: {  	v55 =	vld [tilespmem:s12+$0x1C0];
	v61 =	vmul.f32 $1.442695020e+00, v53;
	(erf) = vpow2.f32 v48;
	v48 =	vadd.f32 v36, v35;
	v35, _, _ =	vpop (xrf2)  }
0x86: {  	v2 =	vadd.f32 v42, v41;
	v54 =	vmul.f32 $1.442695020e+00, v45;
	v10 =	vpop (erf);
	(erf) = vpow2.f32 v50  }
0x87: {  	v57 =	vld [tilespmem:s12+$0x1D0];
	v11 =	vadd.f32 v17, v11;
	v56 =	vmul.f32 $1.442695020e+00, v47;
	v16 =	vpop (erf);
	(erf) = vpow2.f32 v52  }
0x88: {  	(xrf2) =	vadd.scan.msk.f32 $0xffff, v9;
	v47 =	vadd.f32 v34, v33;
	v58 =	vmul.f32 $1.442695020e+00, v49;
	v26 =	vpop (erf);
	(erf) = vpow2.f32 v54  }
0x89: {  	(xrf2) =	vadd.scan.msk.f32 $0xffff, v3;
	v59 =	vld [tilespmem:s12+$0x1E0];
	v3 =	vadd.f32 v8, v43;
	v60 =	vmul.f32 $1.442695020e+00, v51;
	v29 =	vpop (erf);
	(erf) = vpow2.f32 v56  }
0x8a: {  	v51 =	vadd.f32 v40, v39;
	v62 =	vmul.f32 $1.442695020e+00, v55;
	v44 =	vld [tilespmem:s12+$0x1F0];
	v7 =	vpop (erf);
	(erf) = vpow2.f32 v58  }
0x8b: {  	v55 =	vadd.f32 v19, v13;
	v50 =	vadd.f32 v38, v37;
	v24 =	vpop (erf);
	(erf) = vpow2.f32 v60  }
0x8c: {  	(xrf2) =	vadd.scan.msk.f32 $0xffff, v14;
	v63 =	vmul.f32 $1.442695020e+00, v57;
	v6 =	vadd.f32 v12, v6;
	v56 =	vadd.f32 v48, v47;
	v23 =	vpop (erf)  }
0x8d: {  	v2 =	vadd.f32 v11, v2;
	(xrf2) =	vadd.scan.msk.f32 $0xffff, v55;
	v4 =	vadd.f32 v51, v50;
	(erf) = vpow2.f32 v61;
	v45 =	vpop (erf)  }
0x8e: {  	v46 =	vmul.f32 $1.442695020e+00, v59;
	v3 =	vadd.f32 v6, v3;
	(xrf2) =	vadd.scan.msk.f32 $0xffff, v56;
	(erf) = vpow2.f32 v62;
	v49 =	vpop (erf)  }
0x8f: {  	v5 =	vadd.f32 v15, v5;
	v57 =	vmul.f32 $1.442695020e+00, v44;
	(xrf2) =	vadd.scan.msk.f32 $0xffff, v4;
	(erf) = vpow2.f32 v63;
	v52 =	vpop (erf)  }
0x90: {  	v21 =	vadd.f32 v29, v26;
	v61 =	vadd.f32 v22, v18;
	(xrf2) =	vadd.scan.msk.f32 $0xffff, v2;
	(erf) = vpow2.f32 v46;
	v53 =	vpop (erf)  }
0x91: {  	v63 =	vadd.f32 v16, v10;
	(xrf2) =	vadd.scan.msk.f32 $0xffff, v3;
	(erf) = vpow2.f32 v57;
	v3 =	vadd.f32 v52, v49;
	v54 =	vpop (erf)  }
0x92: {  	v28 =	vadd.f32 v5, v61;
	v58 =	vpop (erf)  }
0x93: {  	v2 =	vadd.f32 v21, v63;
	v31 =	vadd.f32 v54, v53;
	v59 =	vpop (erf)  }
0x94: {  	v7 =	vadd.f32 v24, v7;
	(xrf2) =	vadd.scan.msk.f32 $0xffff, v28;
	v60 =	vpop (erf)  }
0x95: {  	v26 =	vadd.f32 v45, v23;
	(xrf2) =	vadd.scan.msk.f32 $0xffff, v2;
	v2 =	vadd.f32 v31, v3;
	v3, _, _ =	vpop (xrf2)  }
0x96: {  	v62 =	vpop (erf)  }
0x97: {  	v30 =	vadd.f32 v26, v7;
	v22 =	vpop (erf)  }
0x98: {  	v33 =	vadd.f32 v59, v58;
	v34 =	vadd.f32 v62, v60;
	v27 =	vpop (erf)  }
0x99: {  	v29 =	vpop (erf)  }
0x9a: {  	v36 =	vbroadcast v32, $0xF;
	(xrf2) =	vadd.scan.msk.f32 $0xffff, v30;
	v4 =	vadd.f32 v34, v33;
	v38 =	vpop (erf)  }
0x9b: {  	v37 =	vbroadcast v35, $0xF;
	v39, _, _ =	vpop (xrf2);
	(xrf2) =	vadd.scan.msk.f32 $0xffff, v2;
	v2 =	vadd.f32 v27, v22;
	v5 =	vadd.f32 v38, v29  }
0x9c: {  	v3 =	vbroadcast v3, $0xF  }
0x9d: {  	v40 =	vsel vm0, v36, v37;
	v41 =	vbroadcast v39, $0xF;
	v42, _, _ =	vpop (xrf2);
	(xrf2) =	vadd.scan.msk.f32 $0xffff, v4;
	v2 =	vadd.f32 v5, v2  }
0x9e: {  	v43, _, _ =	vpop (xrf2);
	v3 =	vsel vm1, v40, v3;
	v44 =	vbroadcast v42, $0xF  }
0x9f: {  	v45, _, _ =	vpop (xrf2);
	v3 =	vsel vm2, v3, v41;
	v4 =	vbroadcast v43, $0xF  }
0xa0: {  	v3 =	vsel vm3, v3, v44;
	v46, _, _ =	vpop (xrf2);
	v5 =	vbroadcast v45, $0xF  }
0xa1: {  	v47 =	vbroadcast v46, $0xF;
	v3 =	vsel vm4, v3, v4;
	(xrf2) =	vadd.scan.msk.f32 $0xffff, v2;
	v2, _, _ =	vpop (xrf2)  }
0xa2: {  	v3 =	vsel vm5, v3, v5;
	v48, _, _ =	vpop (xrf2);
	v2 =	vbroadcast v2, $0xF  }
0xa3: {  	v3 =	vsel vm6, v3, v47;
	v49, _, _ =	vpop (xrf2);
	v50 =	vbroadcast v48, $0xF  }
0xa4: {  	v51, _, _ =	vpop (xrf2);
	v2 =	vsel vm7, v3, v2;
	v3 =	vbroadcast v49, $0xF  }
0xa5: {  	v52, _, _ =	vpop (xrf2);
	v2 =	vsel vm8, v2, v50;
	v53 =	vbroadcast v51, $0xF  }
0xa6: {  	v54, _, _ =	vpop (xrf2);
	v2 =	vsel vm9, v2, v3;
	v3 =	vbroadcast v52, $0xF  }
0xa7: {  	v55, _, _ =	vpop (xrf2);
	v2 =	vsel vm10, v2, v53  }
0xa8: {  	v2 =	vsel vm11, v2, v3;
	v3 =	vbroadcast v55, $0xF  }
0xa9: {  	v56 =	vbroadcast v54, $0xF;
	_ =	sdelay $0x1  }
0xaa: {  	v2 =	vsel vm12, v2, v56  }
0xab: {  	v2 =	vsel vm13, v2, v3;
	v3, _, _ =	vpop (xrf2)  }
0xac: {  	v2 =	vsel vm14, v2, v3  }
0xad: {  	v3 =	vand.u32 $0x7FFFFF, v2  }
0xae: {  	v3 =	vor.u32 $0x3F800000, v3  }
0xaf: {  	v57 =	vadd.f32 $1.000000000e+00, v3;
	_ =	sdelay $0x1  }
0xb0: {  	(erf) = vrcp.f32 v57;
	_ =	sdelay $0x7  }
0xb1: {  	v3 =	vadd.f32 $-1.000000000e+00, v3  }
0xb2: {  	v4 =	vpop (erf)  }
0xb3: {  	v3 =	vmul.f32 v4, v3;
	_ =	sdelay $0x1  }
0xb4: {  	v4 =	vmul.f32 v3, v3;
	_ =	sdelay $0x1  }
0xb5: {  	v58 =	vmul.f32 $1.111111120e-01, v4;
	_ =	sdelay $0x1  }
0xb6: {  	v5 =	vadd.f32 $1.428571490e-01, v58  }
0xb7: {  	v59 =	vld [tilespmem:s11+$0x0]  }
0xb8: {  	v5 =	vmul.f32 v5, v4;
	_ =	sdelay $0x1  }
0xb9: {  	v60 =	vmov s9;
	v5 =	vadd.f32 $2.000000030e-01, v5  }
0xba: {  	v7 =	vshll.u32 v60, $0x6  }
0xbb: {  	v7 =	vor.u32 v1, v7;
	v61 =	vand.u32 $0xFFFFFFF8, v59;
	v5 =	vmul.f32 v5, v4  }
0xbc: {  	v6 =	vand.u32 $0x7, v59;
	v7 =	vadd.s32 v7, v61  }
0xbd: {  	v6 =	vor.u32 v6, v7;
	v5 =	vadd.f32 $3.333333430e-01, v5  }
0xbe: {  	v2 =	vshrl.u32 v2, $0x17  }
0xbf: {  	v2 =	vand.u32 $0xFF, v2;
	v4 =	vmul.f32 v5, v4  }
0xc0: {  	v2 =	vadd.s32 $0xFFFFFF81, v2  }
0xc1: {  	v2 =	vcvt.s32.f32 v2;
	v3 =	vadd.f32 v3, v3;
	v4 =	vadd.f32 $1.000000000e+00, v4  }
0xc2: {  	v62 =	vld.idx.msk [tilespmem:v6+s17+$0x0], $0xffff  }
0xc3: {  	v2 =	vmul.f32 $6.931471820e-01, v2;
	v3 =	vmul.f32 v4, v3  }
0xc4: {  	v63 =	vld [tilespmem:$0x10800]  }
0xc5: {  	v2 =	vadd.f32 v3, v2  }
0xc6: {  	p0 =	sne.s32 s9, $0x1F0  }
.Ltmp0:
0xc7: {  	v2 =	vsub.f32 v2, v62;
	(pc) =	sbr.rel @p0 .LBB2_3-.Ltmp0, $3  }
0xc8: {  	_ = 	snop  }
0xc9: {  	v2 =	vadd.f32 v2, v63;
	_ =	sdelay $0x1  }
0xca: {  	s12 =	sadd.s32 $0x400, s12;
	s11 =	sadd.s32 $0x10, s11;
	s9 =	sadd.s32 $0x10, s9;
	[tilespmem:$0x10800] =	vst v2  }
0xcb: {  	s9 =	sshll.u32 s21, $0x11  }
0xcc: {  	s9 =	sadd.s32 s10, s9  }
0xcd: {  	s9 =	sshrl.u32 s9, $0x3  }
0xce: {  	p0 =	seq.s32 s21, $0x18;
	s9 =	sadd.s32 s6, s9  }
0xcf: {  	[hbm4b:s9+s15] =	stream.strided.scatter [tilespmem:s17], [sflag:$0x3], $0x8000, s16, s15, $0x38;
	[tilespmem:$0x10810] =	vst v63  }
0xd0: {  	s9 =	sshll.u32 @!p0 s21, $0x7  }
0xd1: {  	s9 =	sadd.s32 @!p0 s13, s9  }
0xd2: {  	s12 =	simm.s32 @!p0 $0x0;
	s11 =	sadd.s32 @!p0 s1, s9  }
0xd3: {  	[tilespmem:s12], [sflag:$0x5] =	stream.linear.gather @!p0 [hbm4b:s11+s12], $0x200, $0x38;
	[tilespmem:$0x10810] =	vst v63  }
0xd4: {  	s11 =	simm.s32 @!p0 $0x5  }
0xd5: {  	_ =	swait.ge @!p0 [sflag:s11], $0x200  }
0xd6: {  	[sflag:s11] =	ssyncset.done @!p0 $0x0  }
0xd7: {  	s19 =	simm.s32 @!p0 $0x400;
	s9 =	sadd.s32 @!p0 s4, s9;
	[sflag:s11] =	ssyncadd.s32 @!p0 $0xFFFFFE00  }
0xd8: {  	[tilespmem:s19], [sflag:$0x5] =	stream.linear.gather @!p0 [hbm4b:s9+s12], $0x200, $0x38;
	[tilespmem:$0x10810] =	vst v63  }
0xd9: {  	_ =	swait.ge @!p0 [sflag:s11], $0x200  }
0xda: {  	[sflag:s11] =	ssyncset.done @!p0 $0x0  }
0xdb: {  	s9 =	simm.s32 @!p0 $0x3;
	[sflag:s11] =	ssyncadd.s32 @!p0 $0xFFFFFE00  }
0xdc: {  	_ =	swait.ge @!p0 [sflag:s9], $0x8000  }
0xdd: {  	[sflag:s9] =	ssyncset.done @!p0 $0x0  }
0xde: {  	s11 =	simm.s32 @!p0 $0x800;
	[sflag:s9] =	ssyncadd.s32 @!p0 $0xFFFF8000;
	s9 =	simm.s32 @!p0 $0x80  }
0xdf: {  	[tilespmem:s11], [sflag:$0x1] =	stream.indirect.gather @!p0 [hbm4b:s5+s9], $0x40, s12, s9, $0xb8;
	[tilespmem:$0x10810] =	vst v63  }
0xe0: {  	s11 =	simm.s32 @!p0 $0x2800  }
0xe1: {  	[tilespmem:s11], [sflag:$0x1] =	stream.indirect.gather @!p0 [hbm4b:s5+s9], $0x40, s9, s9, $0xb8;
	[tilespmem:$0x10810] =	vst v63  }
0xe2: {  	s12 =	simm.s32 @!p0 $0x4800;
	s11 =	simm.s32 @!p0 $0x100  }
0xe3: {  	[tilespmem:s12], [sflag:$0x1] =	stream.indirect.gather @!p0 [hbm4b:s5+s9], $0x40, s11, s9, $0xb8;
	[tilespmem:$0x10810] =	vst v63  }
0xe4: {  	s11 =	simm.s32 @!p0 $0x180;
	s12 =	simm.s32 @!p0 $0x6800  }
0xe5: {  	[tilespmem:s12], [sflag:$0x1] =	stream.indirect.gather @!p0 [hbm4b:s5+s9], $0x40, s11, s9, $0xb8;
	[tilespmem:$0x10810] =	vst v63  }
0xe6: {  	_ =	swait.ge [sflag:s18], $0x2000  }
0xe7: {  	[sflag:s18] =	ssyncset.done $0x0  }
0xe8: {  	[sflag:s18] =	ssyncadd.s32 $0xFFFFE000  }
0xe9: {  	_ =	swait.ge [sflag:s18], $0x2000  }
0xea: {  	[sflag:s18] =	ssyncset.done $0x0  }
0xeb: {  	[sflag:s18] =	ssyncadd.s32 $0xFFFFE000  }
0xec: {  	_ =	swait.ge [sflag:s18], $0x2000  }
0xed: {  	[sflag:s18] =	ssyncset.done $0x0  }
0xee: {  	[sflag:s18] =	ssyncadd.s32 $0xFFFFE000  }
0xef: {  	_ =	swait.ge [sflag:s18], $0x2000  }
0xf0: {  	s9 =	simm.s32 $0x0;
	[sflag:s18] =	ssyncset.done $0x0  }
0xf1: {  	s11 =	simm.s32 $0x600;
	s12 =	simm.s32 $0x8A00;
	[sflag:s18] =	ssyncadd.s32 $0xFFFFE000  }
.LBB2_5:
0xf2: {  	v2 =	vld [tilespmem:s12+$0xFFFFFE00]  }
0xf3: {  	v3 =	vld [tilespmem:s12+$0xFFFFFE10]  }
0xf4: {  	v4 =	vld [tilespmem:s12+$0xFFFFFE20]  }
0xf5: {  	v5 =	vld [tilespmem:s12+$0xFFFFFE30]  }
0xf6: {  	v6 =	vld [tilespmem:s12+$0xFFFFFE40]  }
0xf7: {  	v7 =	vld [tilespmem:s12+$0xFFFFFE50]  }
0xf8: {  	v8 =	vld [tilespmem:s12+$0xFFFFFE60];
	v2 =	vmul.f32 $1.442695020e+00, v2  }
0xf9: {  	v25 =	vld [tilespmem:s12+$0xFFFFFE70];
	v3 =	vmul.f32 $1.442695020e+00, v3  }
0xfa: {  	v26 =	vld [tilespmem:s12+$0xFFFFFE80];
	(erf) = vpow2.f32 v2;
	v2 =	vmul.f32 $1.442695020e+00, v4  }
0xfb: {  	v27 =	vld [tilespmem:s12+$0xFFFFFE90];
	(erf) = vpow2.f32 v3;
	v3 =	vmul.f32 $1.442695020e+00, v5  }
0xfc: {  	v28 =	vld [tilespmem:s12+$0xFFFFFEA0];
	(erf) = vpow2.f32 v2;
	v2 =	vmul.f32 $1.442695020e+00, v6  }
0xfd: {  	v29 =	vld [tilespmem:s12+$0xFFFFFEB0];
	(erf) = vpow2.f32 v3;
	v3 =	vmul.f32 $1.442695020e+00, v7  }
0xfe: {  	v9 =	vld [tilespmem:s12+$0xFFFFFEC0];
	(erf) = vpow2.f32 v2;
	v2 =	vmul.f32 $1.442695020e+00, v8  }
0xff: {  	v31 =	vld [tilespmem:s12+$0xFFFFFEE0];
	(erf) = vpow2.f32 v3;
	v3 =	vmul.f32 $1.442695020e+00, v25  }
0x100: {  	v10 =	vld [tilespmem:s12+$0xFFFFFF00];
	(erf) = vpow2.f32 v2;
	v2 =	vmul.f32 $1.442695020e+00, v26  }
0x101: {  	v30 =	vld [tilespmem:s12+$0xFFFFFED0];
	(erf) = vpow2.f32 v3;
	v3 =	vmul.f32 $1.442695020e+00, v27  }
0x102: {  	v13 =	vld [tilespmem:s12+$0xFFFFFF20];
	(erf) = vpow2.f32 v2;
	v2 =	vmul.f32 $1.442695020e+00, v28  }
0x103: {  	v32 =	vld [tilespmem:s12+$0xFFFFFEF0];
	v4 =	vpop (erf);
	(erf) = vpow2.f32 v3;
	v3 =	vmul.f32 $1.442695020e+00, v29  }
0x104: {  	v16 =	vld [tilespmem:s12+$0xFFFFFF50];
	v11 =	vpop (erf);
	(erf) = vpow2.f32 v2;
	v2 =	vmul.f32 $1.442695020e+00, v9  }
0x105: {  	v33 =	vld [tilespmem:s12+$0xFFFFFF10];
	v34 =	vmul.f32 $1.442695020e+00, v31;
	v10 =	vmul.f32 $1.442695020e+00, v10  }
0x106: {  	v19 =	vld [tilespmem:s12+$0xFFFFFF60];
	v8 =	vpop (erf);
	(erf) = vpow2.f32 v3;
	v3 =	vmul.f32 $1.442695020e+00, v30  }
0x107: {  	v14 =	vld [tilespmem:s12+$0xFFFFFF30];
	v36 =	vmul.f32 $1.442695020e+00, v13;
	v17 =	vpop (erf);
	(erf) = vpow2.f32 v2  }
0x108: {  	v35 =	vld [tilespmem:s12+$0xFFFFFF40];
	v2 =	vpop (erf);
	(erf) = vpow2.f32 v3;
	v3 =	vmul.f32 $1.442695020e+00, v32  }
0x109: {  	v37 =	vld [tilespmem:s12+$0xFFFFFF70];
	v39 =	vmul.f32 $1.442695020e+00, v16;
	v6 =	vpop (erf);
	(erf) = vpow2.f32 v34  }
0x10a: {  	v5 =	vpop (erf);
	(erf) = vpow2.f32 v3;
	v3 =	vmul.f32 $1.442695020e+00, v33  }
0x10b: {  	v38 =	vld [tilespmem:s12+$0xFFFFFF80];
	v40 =	vmul.f32 $1.442695020e+00, v19;
	v12 =	vpop (erf);
	(erf) = vpow2.f32 v10  }
0x10c: {  	v9 =	vpop (erf);
	(erf) = vpow2.f32 v3;
	v3 =	vmul.f32 $1.442695020e+00, v14  }
0x10d: {  	v7 =	vmul.f32 $1.442695020e+00, v35;
	v18 =	vpop (erf);
	(erf) = vpow2.f32 v36  }
0x10e: {  	v20 =	vld [tilespmem:s12+$0xFFFFFF90];
	v13 =	vmul.f32 $1.442695020e+00, v37;
	v15 =	vpop (erf);
	(erf) = vpow2.f32 v3  }
0x10f: {  	v21 =	vld [tilespmem:s12+$0xFFFFFFA0];
	v4 =	vadd.f32 v11, v4;
	v8 =	vadd.f32 v17, v8;
	v22 =	vpop (erf);
	(erf) = vpow2.f32 v7  }
0x110: {  	v41 =	vld [tilespmem:s12+$0xFFFFFFB0];
	v14 =	vmul.f32 $1.442695020e+00, v38;
	v3 =	vpop (erf);
	(erf) = vpow2.f32 v39  }
0x111: {  	v23 =	vld [tilespmem:s12+$0xFFFFFFC0];
	v4 =	vadd.f32 v8, v4;
	v10 =	vpop (erf);
	(erf) = vpow2.f32 v40  }
0x112: {  	v24 =	vld [tilespmem:s12+$0xFFFFFFD0];
	v7 =	vpop (erf);
	(erf) = vpow2.f32 v13  }
0x113: {  	v43 =	vld [tilespmem:s12+$0xFFFFFFE0];
	v42 =	vmul.f32 $1.442695020e+00, v20;
	(xrf2) =	vadd.scan.msk.f32 $0xffff, v4;
	v16 =	vpop (erf);
	(erf) = vpow2.f32 v14  }
0x114: {  	v21 =	vmul.f32 $1.442695020e+00, v21;
	v25 =	vld [tilespmem:s12+$0xFFFFFFF0];
	v14 =	vpop (erf)  }
0x115: {  	v45 =	vld [tilespmem:s12+$0x0];
	v44 =	vmul.f32 $1.442695020e+00, v41;
	(erf) = vpow2.f32 v42;
	v26 =	vpop (erf)  }
0x116: {  	v47 =	vld [tilespmem:s12+$0x10];
	v46 =	vmul.f32 $1.442695020e+00, v23;
	(erf) = vpow2.f32 v21;
	v27 =	vpop (erf)  }
0x117: {  	v24 =	vmul.f32 $1.442695020e+00, v24;
	v28 =	vld [tilespmem:s12+$0x20];
	(erf) = vpow2.f32 v44;
	v29 =	vpop (erf)  }
0x118: {  	v48 =	vld [tilespmem:s12+$0x30];
	v20 =	vmul.f32 $1.442695020e+00, v43;
	(erf) = vpow2.f32 v46;
	v13 =	vpop (erf)  }
0x119: {  	v50 =	vld [tilespmem:s12+$0x40];
	v49 =	vmul.f32 $1.442695020e+00, v25;
	(erf) = vpow2.f32 v24;
	v30 =	vpop (erf)  }
0x11a: {  	v51 =	vmul.f32 $1.442695020e+00, v45;
	v31 =	vld [tilespmem:s12+$0x50];
	(erf) = vpow2.f32 v20;
	v19 =	vpop (erf)  }
0x11b: {  	v52 =	vld [tilespmem:s12+$0x60];
	v23 =	vmul.f32 $1.442695020e+00, v47;
	(erf) = vpow2.f32 v49;
	v32 =	vpop (erf)  }
0x11c: {  	v54 =	vld [tilespmem:s12+$0x70];
	v53 =	vmul.f32 $1.442695020e+00, v28;
	(erf) = vpow2.f32 v51;
	v33 =	vpop (erf)  }
0x11d: {  	v55 =	vld [tilespmem:s12+$0x80];
	v21 =	vmul.f32 $1.442695020e+00, v48;
	(erf) = vpow2.f32 v23;
	v19 =	vadd.f32 v32, v19;
	v32, _, _ =	vpop (xrf2)  }
0x11e: {  	v57 =	vld [tilespmem:s12+$0x90];
	v56 =	vmul.f32 $1.442695020e+00, v50;
	v34 =	vpop (erf);
	(erf) = vpow2.f32 v53  }
0x11f: {  	v59 =	vld [tilespmem:s12+$0xA0];
	v58 =	vmul.f32 $1.442695020e+00, v31;
	v35 =	vpop (erf);
	(erf) = vpow2.f32 v21  }
0x120: {  	v61 =	vld [tilespmem:s12+$0xB0];
	v60 =	vmul.f32 $1.442695020e+00, v52;
	v36 =	vpop (erf);
	(erf) = vpow2.f32 v56  }
0x121: {  	v63 =	vld [tilespmem:s12+$0xC0];
	v62 =	vmul.f32 $1.442695020e+00, v54;
	v37 =	vpop (erf);
	(erf) = vpow2.f32 v58  }
0x122: {  	v45 =	vld [tilespmem:s12+$0xD0];
	v2 =	vadd.f32 v6, v2;
	v44 =	vmul.f32 $1.442695020e+00, v55;
	v38 =	vpop (erf);
	(erf) = vpow2.f32 v60  }
0x123: {  	v47 =	vld [tilespmem:s12+$0xE0];
	v5 =	vadd.f32 v12, v5;
	v46 =	vmul.f32 $1.442695020e+00, v57;
	v39 =	vpop (erf);
	(erf) = vpow2.f32 v62  }
0x124: {  	v48 =	vmul.f32 $1.442695020e+00, v59;
	v49 =	vld [tilespmem:s12+$0xF0];
	v40 =	vpop (erf);
	(erf) = vpow2.f32 v44  }
0x125: {  	v50 =	vmul.f32 $1.442695020e+00, v61;
	v2 =	vadd.f32 v5, v2;
	v51 =	vld [tilespmem:s12+$0x100];
	v41 =	vpop (erf);
	(erf) = vpow2.f32 v46  }
0x126: {  	v52 =	vmul.f32 $1.442695020e+00, v63;
	v53 =	vld [tilespmem:s12+$0x110];
	v42 =	vpop (erf);
	(erf) = vpow2.f32 v48  }
0x127: {  	v9 =	vadd.f32 v18, v9;
	v15 =	vadd.f32 v22, v15;
	(xrf2) =	vadd.scan.msk.f32 $0xffff, v2;
	v55 =	vld [tilespmem:s12+$0x120];
	v11 =	vpop (erf);
	(erf) = vpow2.f32 v50  }
0x128: {  	v54 =	vmul.f32 $1.442695020e+00, v45;
	v57 =	vld [tilespmem:s12+$0x130];
	v56 =	vmul.f32 $1.442695020e+00, v47;
	v17 =	vpop (erf)  }
0x129: {  	v9 =	vadd.f32 v15, v9;
	v59 =	vld [tilespmem:s12+$0x140];
	v58 =	vmul.f32 $1.442695020e+00, v49;
	(erf) = vpow2.f32 v52;
	v43 =	vpop (erf)  }
0x12a: {  	v61 =	vld [tilespmem:s12+$0x150];
	v3 =	vadd.f32 v10, v3;
	v60 =	vmul.f32 $1.442695020e+00, v51;
	(erf) = vpow2.f32 v54;
	v8 =	vpop (erf)  }
0x12b: {  	v63 =	vld [tilespmem:s12+$0x160];
	v7 =	vadd.f32 v16, v7;
	v62 =	vmul.f32 $1.442695020e+00, v53;
	(erf) = vpow2.f32 v56;
	v6 =	vpop (erf)  }
0x12c: {  	v14 =	vadd.f32 v26, v14;
	v53 =	vld [tilespmem:s12+$0x1B0];
	v44 =	vmul.f32 $1.442695020e+00, v55;
	(erf) = vpow2.f32 v58;
	v12 =	vpop (erf)  }
0x12d: {  	v45 =	vld [tilespmem:s12+$0x170];
	v27 =	vadd.f32 v29, v27;
	v46 =	vmul.f32 $1.442695020e+00, v57;
	(erf) = vpow2.f32 v60;
	v18 =	vpop (erf)  }
0x12e: {  	v3 =	vadd.f32 v7, v3;
	v47 =	vld [tilespmem:s12+$0x180];
	v48 =	vmul.f32 $1.442695020e+00, v59;
	(erf) = vpow2.f32 v62;
	v22 =	vpop (erf)  }
0x12f: {  	v14 =	vadd.f32 v27, v14;
	v49 =	vld [tilespmem:s12+$0x190];
	v50 =	vmul.f32 $1.442695020e+00, v61;
	(erf) = vpow2.f32 v44;
	v5 =	vpop (erf)  }
0x130: {  	v13 =	vadd.f32 v30, v13;
	v51 =	vld [tilespmem:s12+$0x1A0];
	v52 =	vmul.f32 $1.442695020e+00, v63;
	(erf) = vpow2.f32 v46;
	v15 =	vpop (erf)  }
0x131: {  	v55 =	vld [tilespmem:s12+$0x1C0];
	v61 =	vmul.f32 $1.442695020e+00, v53;
	(erf) = vpow2.f32 v48;
	v48 =	vadd.f32 v36, v35;
	v35, _, _ =	vpop (xrf2)  }
0x132: {  	v2 =	vadd.f32 v42, v41;
	v54 =	vmul.f32 $1.442695020e+00, v45;
	v10 =	vpop (erf);
	(erf) = vpow2.f32 v50  }
0x133: {  	v57 =	vld [tilespmem:s12+$0x1D0];
	v11 =	vadd.f32 v17, v11;
	v56 =	vmul.f32 $1.442695020e+00, v47;
	v16 =	vpop (erf);
	(erf) = vpow2.f32 v52  }
0x134: {  	(xrf2) =	vadd.scan.msk.f32 $0xffff, v9;
	v47 =	vadd.f32 v34, v33;
	v58 =	vmul.f32 $1.442695020e+00, v49;
	v26 =	vpop (erf);
	(erf) = vpow2.f32 v54  }
0x135: {  	(xrf2) =	vadd.scan.msk.f32 $0xffff, v3;
	v59 =	vld [tilespmem:s12+$0x1E0];
	v3 =	vadd.f32 v8, v43;
	v60 =	vmul.f32 $1.442695020e+00, v51;
	v29 =	vpop (erf);
	(erf) = vpow2.f32 v56  }
0x136: {  	v51 =	vadd.f32 v40, v39;
	v62 =	vmul.f32 $1.442695020e+00, v55;
	v44 =	vld [tilespmem:s12+$0x1F0];
	v7 =	vpop (erf);
	(erf) = vpow2.f32 v58  }
0x137: {  	v55 =	vadd.f32 v19, v13;
	v50 =	vadd.f32 v38, v37;
	v24 =	vpop (erf);
	(erf) = vpow2.f32 v60  }
0x138: {  	(xrf2) =	vadd.scan.msk.f32 $0xffff, v14;
	v63 =	vmul.f32 $1.442695020e+00, v57;
	v6 =	vadd.f32 v12, v6;
	v56 =	vadd.f32 v48, v47;
	v23 =	vpop (erf)  }
0x139: {  	v2 =	vadd.f32 v11, v2;
	(xrf2) =	vadd.scan.msk.f32 $0xffff, v55;
	v4 =	vadd.f32 v51, v50;
	(erf) = vpow2.f32 v61;
	v45 =	vpop (erf)  }
0x13a: {  	v46 =	vmul.f32 $1.442695020e+00, v59;
	v3 =	vadd.f32 v6, v3;
	(xrf2) =	vadd.scan.msk.f32 $0xffff, v56;
	(erf) = vpow2.f32 v62;
	v49 =	vpop (erf)  }
0x13b: {  	v5 =	vadd.f32 v15, v5;
	v57 =	vmul.f32 $1.442695020e+00, v44;
	(xrf2) =	vadd.scan.msk.f32 $0xffff, v4;
	(erf) = vpow2.f32 v63;
	v52 =	vpop (erf)  }
0x13c: {  	v21 =	vadd.f32 v29, v26;
	v61 =	vadd.f32 v22, v18;
	(xrf2) =	vadd.scan.msk.f32 $0xffff, v2;
	(erf) = vpow2.f32 v46;
	v53 =	vpop (erf)  }
0x13d: {  	v63 =	vadd.f32 v16, v10;
	(xrf2) =	vadd.scan.msk.f32 $0xffff, v3;
	(erf) = vpow2.f32 v57;
	v3 =	vadd.f32 v52, v49;
	v54 =	vpop (erf)  }
0x13e: {  	v28 =	vadd.f32 v5, v61;
	v58 =	vpop (erf)  }
0x13f: {  	v2 =	vadd.f32 v21, v63;
	v31 =	vadd.f32 v54, v53;
	v59 =	vpop (erf)  }
0x140: {  	v7 =	vadd.f32 v24, v7;
	(xrf2) =	vadd.scan.msk.f32 $0xffff, v28;
	v60 =	vpop (erf)  }
0x141: {  	v26 =	vadd.f32 v45, v23;
	(xrf2) =	vadd.scan.msk.f32 $0xffff, v2;
	v2 =	vadd.f32 v31, v3;
	v3, _, _ =	vpop (xrf2)  }
0x142: {  	v62 =	vpop (erf)  }
0x143: {  	v30 =	vadd.f32 v26, v7;
	v22 =	vpop (erf)  }
0x144: {  	v33 =	vadd.f32 v59, v58;
	v34 =	vadd.f32 v62, v60;
	v27 =	vpop (erf)  }
0x145: {  	v29 =	vpop (erf)  }
0x146: {  	v36 =	vbroadcast v32, $0xF;
	(xrf2) =	vadd.scan.msk.f32 $0xffff, v30;
	v4 =	vadd.f32 v34, v33;
	v38 =	vpop (erf)  }
0x147: {  	v37 =	vbroadcast v35, $0xF;
	v39, _, _ =	vpop (xrf2);
	(xrf2) =	vadd.scan.msk.f32 $0xffff, v2;
	v2 =	vadd.f32 v27, v22;
	v5 =	vadd.f32 v38, v29  }
0x148: {  	v3 =	vbroadcast v3, $0xF  }
0x149: {  	v40 =	vsel vm0, v36, v37;
	v41 =	vbroadcast v39, $0xF;
	v42, _, _ =	vpop (xrf2);
	(xrf2) =	vadd.scan.msk.f32 $0xffff, v4;
	v2 =	vadd.f32 v5, v2  }
0x14a: {  	v43, _, _ =	vpop (xrf2);
	v3 =	vsel vm1, v40, v3;
	v44 =	vbroadcast v42, $0xF  }
0x14b: {  	v45, _, _ =	vpop (xrf2);
	v3 =	vsel vm2, v3, v41;
	v4 =	vbroadcast v43, $0xF  }
0x14c: {  	v3 =	vsel vm3, v3, v44;
	v46, _, _ =	vpop (xrf2);
	v5 =	vbroadcast v45, $0xF  }
0x14d: {  	v47 =	vbroadcast v46, $0xF;
	v3 =	vsel vm4, v3, v4;
	(xrf2) =	vadd.scan.msk.f32 $0xffff, v2;
	v2, _, _ =	vpop (xrf2)  }
0x14e: {  	v3 =	vsel vm5, v3, v5;
	v48, _, _ =	vpop (xrf2);
	v2 =	vbroadcast v2, $0xF  }
0x14f: {  	v3 =	vsel vm6, v3, v47;
	v49, _, _ =	vpop (xrf2);
	v50 =	vbroadcast v48, $0xF  }
0x150: {  	v51, _, _ =	vpop (xrf2);
	v2 =	vsel vm7, v3, v2;
	v3 =	vbroadcast v49, $0xF  }
0x151: {  	v52, _, _ =	vpop (xrf2);
	v2 =	vsel vm8, v2, v50;
	v53 =	vbroadcast v51, $0xF  }
0x152: {  	v54, _, _ =	vpop (xrf2);
	v2 =	vsel vm9, v2, v3;
	v3 =	vbroadcast v52, $0xF  }
0x153: {  	v55, _, _ =	vpop (xrf2);
	v2 =	vsel vm10, v2, v53  }
0x154: {  	v2 =	vsel vm11, v2, v3;
	v3 =	vbroadcast v55, $0xF  }
0x155: {  	v56 =	vbroadcast v54, $0xF;
	_ =	sdelay $0x1  }
0x156: {  	v2 =	vsel vm12, v2, v56  }
0x157: {  	v2 =	vsel vm13, v2, v3;
	v3, _, _ =	vpop (xrf2)  }
0x158: {  	v2 =	vsel vm14, v2, v3  }
0x159: {  	v3 =	vand.u32 $0x7FFFFF, v2  }
0x15a: {  	v3 =	vor.u32 $0x3F800000, v3  }
0x15b: {  	v57 =	vadd.f32 $1.000000000e+00, v3;
	_ =	sdelay $0x1  }
0x15c: {  	(erf) = vrcp.f32 v57;
	_ =	sdelay $0x7  }
0x15d: {  	v3 =	vadd.f32 $-1.000000000e+00, v3  }
0x15e: {  	v4 =	vpop (erf)  }
0x15f: {  	v3 =	vmul.f32 v4, v3;
	_ =	sdelay $0x1  }
0x160: {  	v4 =	vmul.f32 v3, v3;
	_ =	sdelay $0x1  }
0x161: {  	v58 =	vmul.f32 $1.111111120e-01, v4;
	_ =	sdelay $0x1  }
0x162: {  	v5 =	vadd.f32 $1.428571490e-01, v58  }
0x163: {  	v59 =	vld [tilespmem:s11+$0x0]  }
0x164: {  	v5 =	vmul.f32 v5, v4;
	_ =	sdelay $0x1  }
0x165: {  	v60 =	vmov s9;
	v5 =	vadd.f32 $2.000000030e-01, v5  }
0x166: {  	v7 =	vshll.u32 v60, $0x6  }
0x167: {  	v7 =	vor.u32 v1, v7;
	v61 =	vand.u32 $0xFFFFFFF8, v59;
	v5 =	vmul.f32 v5, v4  }
0x168: {  	v6 =	vand.u32 $0x7, v59;
	v7 =	vadd.s32 v7, v61  }
0x169: {  	v6 =	vor.u32 v6, v7;
	v5 =	vadd.f32 $3.333333430e-01, v5  }
0x16a: {  	v2 =	vshrl.u32 v2, $0x17  }
0x16b: {  	v2 =	vand.u32 $0xFF, v2;
	v4 =	vmul.f32 v5, v4  }
0x16c: {  	v2 =	vadd.s32 $0xFFFFFF81, v2  }
0x16d: {  	v2 =	vcvt.s32.f32 v2;
	v3 =	vadd.f32 v3, v3;
	v4 =	vadd.f32 $1.000000000e+00, v4  }
0x16e: {  	v62 =	vld.idx.msk [tilespmem:v6+s25+$0x0], $0xffff  }
0x16f: {  	v2 =	vmul.f32 $6.931471820e-01, v2;
	v3 =	vmul.f32 v4, v3  }
0x170: {  	v63 =	vld [tilespmem:$0x10800]  }
0x171: {  	v2 =	vadd.f32 v3, v2  }
0x172: {  	p0 =	sne.s32 s9, $0x1F0  }
.Ltmp1:
0x173: {  	v2 =	vsub.f32 v2, v62;
	(pc) =	sbr.rel @p0 .LBB2_5-.Ltmp1, $3  }
0x174: {  	_ = 	snop  }
0x175: {  	v2 =	vadd.f32 v2, v63;
	_ =	sdelay $0x1  }
0x176: {  	s12 =	sadd.s32 $0x400, s12;
	s11 =	sadd.s32 $0x10, s11;
	s9 =	sadd.s32 $0x10, s9;
	[tilespmem:$0x10800] =	vst v2  }
0x177: {  	s21 =	sadd.s32 $0x1, s21  }
0x178: {  	p0 =	sne.s32 s21, $0x19  }
.Ltmp2:
0x179: {  	s7 =	sshll.u32 s7, $0x10;
	(pc) =	sbr.rel @p0 .LBB2_2-.Ltmp2, $4  }
0x17a: {  	s7 =	sadd.s32 s10, s7  }
0x17b: {  	s7 =	sshrl.u32 s7, $0x3  }
0x17c: {  	s7 =	sadd.s32 s6, s7  }
0x17d: {  	[hbm4b:s7+s15] =	stream.strided.scatter [tilespmem:s25], [sflag:$0x4], $0x8000, s16, s15, $0x38;
	[tilespmem:$0x10810] =	vst v63  }
0x17e: {  	s7 =	simm.s32 $0x3  }
0x17f: {  	_ =	swait.ge [sflag:s7], $0x8000  }
0x180: {  	[sflag:s7] =	ssyncset.done $0x0  }
0x181: {  	[sflag:s7] =	ssyncadd.s32 $0xFFFF8000  }
0x182: {  	_ =	swait.ge [sflag:s20], $0x8000  }
0x183: {  	[sflag:s20] =	ssyncset.done $0x0  }
0x184: {  	s9 =	simm.s32 $0x10800;
	s19 =	rddreg [dreg:$0x5];
	[sflag:s20] =	ssyncadd.s32 $0xFFFF8000  }
0x185: {  	[hbm4b:s19+s3] =	stream.linear.scatter [tilespmem:s9], [sflag:$0x5], $0x10, $0x38;
	[tilespmem:$0x10810] =	vst v63  }
0x186: {  	_ =	swait.ge [sflag:s14], $0x10  }
0x187: {  	s22 =	sadd.s32 $0x1, s22;
	s21 =	rddreg [dreg:$0x6]  }
0x188: {  	p0 =	sne.s32 s22, s21  }
.Ltmp3:
0x189: {  	_ = 	snop;
	(pc) =	sbr.rel @p0 .LBB2_1-.Ltmp3, $3  }
0x18a: {  	_ =	sdelay $0x1  }
0x18b: {  	[sflag:s14] =	ssyncset.done $0x0  }
0x18c: {  	[sflag:s14] =	ssyncadd.s32 $0xFFFFFFF0  }
0x18d: {  	_ =	sfence.sel $0x180000  }
0x18e: {  	[bflag:$0x0] =	sbarrier.arrive $0xFFFF  }
0x18f: {  	_ =	strace $0x90000047  }
0x190: {  	s0 =	stileid.u32;
	[bflag:$0x2] =	sbarrier.arrive $0xFFFF  }
0x191: {  	p0 =	sne.s32 s0, $0x0;
	s0 =	rddreg [dreg:$0x2]  }
0x192: {  	s0 =	sadd.s32 @!p0 $0x100000, s0  }
0x193: {  	[sflag:s0] =	ssyncadd.tile.s32 @!p0 $0x1;
	_ =	shalt  }
.Lfunc_end2:
_tile_overlayer_lowered:
.L_overlay_start_2:
0x194: {  	(tag) =	ssettag $0x2  }
0x195: {  	s0 =	rddreg [dreg:$0x0];
	s2 =	stileid.u32  }
0x196: {  	s1 =	rddreg [dreg:$0x1];
	p0 =	sne.s32 s2, $0x0  }
0x197: {  	s3 =	rddreg [dreg:$0x2];
	[bflag:$0x3] =	sbarrier.arrive $0xFFFF;
	s2 =	simm.s32 @!p0 $0x1C05  }
0x198: {  	[timem:s3], [sflag:s2] =	dma.local @!p0 [hbm:s0], s1  }
0x199: {  	s0 =	simm.s32 @!p0 $0x5  }
0x19a: {  	_ =	swait.ge @!p0 [sflag:s0], s1  }
0x19b: {  	s1 =	ssub.s32 @!p0 $0x0, s1;
	[sflag:s0] =	ssyncset.done @!p0 $0x0  }
0x19c: {  	[sflag:s0] =	ssyncadd.s32 @!p0 s1  }
0x19d: {  	[bflag:$0x3] =	sbarrier.arrive $0xFFFF  }
0x19e: {  	_ =	shalt  }

// kernel: sparse-core-data-format-call.cloned.1.call-start
scs
called_computation_lowered:
.L_overlay_start_0:
0x0: {  	s2 =	sld [smem:$0x3FD9]  }
0x1: {  	s3 =	sld [smem:$0x3FFE];
	_ =	sdelay $0x1  }
0x2: {  	s1 =	srdreg.scid  }
0x3: {  	s0 =	sand.u32 $0x1, s1  }
0x4: {  	s15 =	sshll.u32 s0, $0xA;
	s2 =	sadd.s32 s3, s2  }
0x5: {  	s2 =	sadd.s32 s2, s15  }
0x6: {  	[smem:$0x3FC5] =	sst s2  }
0x7: {  	_ = 	snop  }
0x8: {  	s2 =	sld [smem:$0x3FD0];
	_ =	sdelay $0x2  }
0x9: {  	s16 =	simm.s32 $0xA;
	s4 =	simm.s32 $0x10  }
0xa: {  	[smem:s4], [sflag:s16] =	dma.local [hbm:s2], $0x1  }
0xb: {  	_ =	swait.eq [sflag:s16], $0x1  }
0xc: {  	[sflag:s16] =	ssyncset.done $0x0  }
0xd: {  	[sflag:s16] =	ssyncadd.s32 $0xFFFFFFFF  }
0xe: {  	s17 =	sld [smem:$0x10];
	(tm) =	ssettm $0x1  }
0xf: {  	s18 =	sld [smem:$0x3FFB];
	_ =	sdelay $0x3  }
0x10: {  	_ =	strace s18  }
0x11: {  	s3 =	sld [smem:$0x3FFC];
	_ =	sdelay $0x3  }
0x12: {  	_ =	strace s3  }
0x13: {  	s3 =	sld [smem:$0x3FFD];
	_ =	sdelay $0x3  }
0x14: {  	_ =	strace s3  }
0x15: {  	_ =	strace $0x8FFFFFFF  }
0x16: {  	s19 =	sld [smem:$0x3FDB];
	_ =	sdelay $0x1  }
0x17: {  	s20 =	simm.s32 $_scs_section_size  }
0x18: {  	s5 =	simm.s32 $_size__tile_overlayer_lowered;
	s6 =	simm.s32 $_tile_overlayer_lowered  }
0x19: {  	s23 =	simm.s32 $0x1BFF;
	s22 =	sshll.u32 s6, $0x1;
	s3 =	sadd.s32 s20, s19  }
0x1a: {  	s7 =	simm.s32 $0x0;
	s21 =	sshll.u32 s5, $0x1;
	s5 =	sadd.s32 s22, s3  }
0x1b: {  	[timem:s7], [sflag:s23] =	dma.local [hbm:s5], s21  }
0x1c: {  	_ =	swait.ge [sflag:s23], s21  }
0x1d: {  	s4 =	ssub.s32 $0x0, s21;
	[sflag:s23] =	ssyncset.done $0x0  }
0x1e: {  	[sflag:s23] =	ssyncadd.s32 s4;
	_ =	sdelay $0x1  }
0x1f: {  	s24 =	simm.s32 $0x1B8B  }
0x20: {  	_ =	swait.ge [sflag:s24], $0x1  }
0x21: {  	[sflag:s24] =	ssyncset.done $0x0  }
0x22: {  	s26 =	simm.s32 $0x1B8E;
	s25 =	sld [smem:$0x3FFE];
	[sflag:s24] =	ssyncadd.s32 $0xFFFFFFFF  }
0x23: {  	s27 =	simm.s32 $execute0_lowered;
	[smem:$0x3FD2] =	sst s26  }
0x24: {  	s5 =	sshll.u32 s27, $0x1;
	_ =	strace $0x80000049;
	[dreg:$0x1] =	wrdreg $0xFFFFFFFF  }
0x25: {  	s28 =	simm.s32 $_size_execute0_lowered;
	s3 =	sadd.s32 s3, s5;
	[dreg:$0x0] =	wrdreg $0x0  }
0x26: {  	s5 =	sshll.u32 s28, $0x1;
	[dreg:$0x2] =	wrdreg s3  }
0x27: {  	[dreg:$0x3] =	wrdreg s5  }
0x28: {  	[dreg:$0x4] =	wrdreg $0xC0  }
0x29: {  	_ =	task [dreg:s7], $0x5FFFF  }
0x2a: {  	[dreg:$0x1] =	wrdreg $0xFFFFFFFF  }
0x2b: {  	[dreg:$0x0] =	wrdreg $0x60  }
0x2c: {  	[dreg:$0x2] =	wrdreg s25  }
0x2d: {  	[dreg:$0x3] =	wrdreg s17  }
0x2e: {  	[dreg:$0x4] =	wrdreg $0x9  }
0x2f: {  	_ =	task.clear_ibuf [dreg:s7], $0x5FFFF;
	_ =	strace $0x90000049  }
0x30: {  	s29 =	simm.s32 $0x9;
	_ =	strace $0x8000004B  }
0x31: {  	_ =	swait.ge [sflag:s29], $0x1  }
0x32: {  	[sflag:s29] =	ssyncadd.s32 $0xFFFFFFFF  }
0x33: {  	_ =	strace $0x9000004B  }
0x34: {  	_ =	sfence  }
0x35: {  	s30 =	sld [smem:$0x0];
	_ =	sdelay $0x2  }
0x36: {  	s31 =	sshll.u32 s1, $0xD;
	s1 =	sshrl.u32 s1, $0x2  }
0x37: {  	s3 =	sand.u32 $0x4000, s31;
	s1 =	sadd.s32 s1, s30  }
0x38: {  	s0 =	sor.u32 s3, s0;
	s1 =	sshll.u32 s1, $0x11  }
0x39: {  	s0 =	sor.u32 s1, s0  }
0x3a: {  	s0 =	sadd.s32 $0x8F2B, s0  }
0x3b: {  	[sflag:s0] =	ssyncadd.remote.s32 $0x1  }
0x3c: {  	_ =	sfence.sel $0xFFFF  }
0x3d: {  	[dreg:$0x0] =	wrdreg $0xFFFFFFFF;
	(pc) =	sbr.abs _section_cstart, $3  }
0x3e: {  	[dreg:$0x1] =	wrdreg $0xFFFFFFFF  }
0x3f: {  	_ =	task.clear_ibuf [dreg:s7], $0x2FFFF;
	_ =	strace $0x9FFFFFFF  }
0x40: {  	(tm) =	ssettm $0x7FFFFFFF  }
0x41: {  	_ =	shalt  }
tec
execute0_lowered:
.L_overlay_start_1:
0x0: {  	(tag) =	ssettag $0x1  }
0x1: {  	s0 =	srdreg.scid  }
0x2: {  	s1 =	sshll.u32 s0, $0x4  }
0x3: {  	s4 =	rddreg [dreg:$0x0];
	s0 =	stileid.u32;
	s1 =	sand.u32 $0x10, s1  }
0x4: {  	s2 =	rddreg [dreg:$0x1];
	s7 =	simm.s32 $0x1;
	s1 =	sor.u32 s0, s1  }
0x5: {  	s8 =	simm.s32 $0x2;
	s11 =	simm.s32 $0x0;
	s3 =	sshll.u32 s1, $0x7  }
0x6: {  	s10 =	simm.s32 $0x0;
	s4 =	sadd.s32 $0xF5C200, s4;
	s6 =	ssub.s32 $0xC8000, s3  }
.Ltmp0:
0x7: {  	s1 =	rddreg [dreg:$0x2];
	s5 =	sand.u32 $0xF80, s6;
	(pc) =	sbr.rel .LBB1_1-.Ltmp0, $4  }
0x8: {  	_ =	strace $0x8000004A;
	s9 =	smov.u32 s3;
	p0 =	sne.s32 s5, $0x0  }
0x9: {  	s6 =	sshrl.u32 s6, $0xC;
	s5 =	simm.s32 $0x1;
	s7 =	simm.s32 @!p0 $0x0  }
0xa: {  	[sflag:s5] =	ssyncpa.u1 $0x0;
	p0 =	por $0x0, $0x0;
	s6 =	sadd.s32 s7, s6  }
0xb: {  	[sflag:s8] =	ssyncpa.u1 $0x0;
	s8 =	simm.s32 $0x640000;
	s7 =	sadd.s32 $0x1, s6  }
.LBB1_4:
0xc: {  	s14 =	sshll.u32 s11, $0x3  }
0xd: {  	s30 =	sand.u32 $0x7F, s11;
	s15 =	sand.u32 $0xFFFFFC00, s14  }
0xe: {  	s11 =	sor.u32 s30, s15  }
0xf: {  	s15 =	smulhi.u32 $0x51EB851F, s11  }
0x10: {  	s14 =	smulhi.u32 $0x51EB851F, s14  }
0x11: {  	s15 =	sshrl.u32 s15, $0x12  }
0x12: {  	s14 =	sshrl.u32 s14, $0x12;
	s15 =	smul.u32 $0xC8000, s15  }
0x13: {  	s14 =	sand.u32 $0x3F, s14  }
0x14: {  	s14 =	smul.u32 $0x19000, s14;
	s11 =	ssub.s32 s11, s15  }
0x15: {  	[tilespmem:s13+$0x810 ss:$0x81] =	vst.msk $0xffff, v2;
	s15 =	sand.u32 $0x7, s11  }
0x16: {  	[tilespmem:s13+$0x1020 ss:$0x81] =	vst.msk $0xffff, v0;
	s14 =	sadd.s32 s2, s14;
	s11 =	sshrl.u32 s11, $0x3;
	s15 =	sshll.u32 s15, $0x12  }
0x17: {  	[tilespmem:s13+$0x0 ss:$0x81] =	vst.msk $0xffff, v1;
	s11 =	sadd.s32 s11, s14;
	s31 =	sor.u32 $0x400, s15  }
0x18: {  	[hbm4b:s11+s31] =	stream.strided.scatter [tilespmem:s12], [sflag:$0x2], $0x2000, s8, s31, $0x20;
	[tilespmem:$0x8080] =	vst v63  }
.LBB1_5:
0x19: {  	s13 =	sadd.s32 $0x1000, s9  }
0x1a: {  	p2 =	sgt.s32 s13, $0xC7FFF  }
0x1b: {  	s13 =	smov.u32 @p2 s3;
	p2 =	sne.s32 s10, s7  }
.Ltmp1:
0x1c: {  	p1 =	slt.u32 s10, $0x2;
	(pc) =	sbr.rel @!p2 .LBB1_6-.Ltmp1, $4  }
0x1d: {  	s12 =	simm.s32 @!p1 $0x2  }
0x1e: {  	s14 =	sadd.s32 $0x1, s10;
	_ =	swait.ge @!p1 [sflag:s12], $0x2000  }
0x1f: {  	s11 =	smov.u32 s9;
	p0 =	por !p0, !p0;
	[sflag:s12] =	ssyncset.done @!p1 $0x0  }
0x20: {  	s10 =	smov.u32 s14;
	s9 =	smov.u32 s13;
	[sflag:s12] =	ssyncadd.s32 @!p1 $0xFFFFE000  }
.LBB1_1:
0x21: {  	p1 =	sge.u32 s10, s6  }
0x22: {  	s12 =	sand.u32 @!p1 $0x1FFFFFF, s9  }
0x23: {  	s13 =	smulhi.u32 @!p1 $0x147AE15, s12;
	_ =	sdelay $0x1  }
0x24: {  	s13 =	sshrl.u32 @!p1 s13, $0xC  }
0x25: {  	s13 =	smul.u32 @!p1 $0xC8000, s13;
	_ =	sdelay $0x1  }
0x26: {  	s31 =	sadd.s32 $0xFFFFFFFF, s10;
	s14 =	sxor.u32 @!p1 $0xFFFFFFFF, s10;
	s12 =	ssub.s32 @!p1 s12, s13  }
0x27: {  	s15 =	simm.s32 @!p1 $0x80;
	s14 =	sshll.u32 @!p1 s14, $0xD;
	s12 =	sshll.u32 @!p1 s12, $0x4  }
0x28: {  	s13 =	sand.u32 @!p1 $0x2000, s14;
	s14 =	simm.s32 @!p1 $0x40;
	s12 =	sadd.s32 @!p1 s4, s12  }
0x29: {  	[tilespmem:s13], [sflag:$0x1] =	stream.strided.gather @!p1 [hbm4b:s12+s14], $0x2000, s15, s14, $0x38;
	[tilespmem:$0x8080] =	vst v63  }
0x2a: {  	p1 =	sge.u32 s31, s6  }
.Ltmp2:
0x2b: {  	_ = 	snop;
	(pc) =	sbr.rel @p1 .LBB1_5-.Ltmp2, $1  }
0x2c: {  	_ =	sdelay $0x3  }
0x2d: {  	s12 =	simm.s32 $0x1  }
0x2e: {  	_ =	swait.ge [sflag:s5], $0x2000;
	s12 =	simm.s32 @!p0 $0x0  }
0x2f: {  	[sflag:s5] =	ssyncset.done $0x0;
	s13 =	sshll.u32 s12, $0xD  }
0x30: {  	[sflag:s5] =	ssyncadd.s32 $0xFFFFE000;
	s16 =	sor.u32 $0x20, s13  }
0x31: {  	s12 =	smul.u32 $0x8100, s12;
	v3 =	vld [tilespmem:s16+$0x10]  }
0x32: {  	s30 =	sand.u32 $0x1, s10;
	v2 =	vld [tilespmem:s16+$0xFFFFFFF0]  }
0x33: {  	s13 =	smul.u32 $0x8100, s30;
	s12 =	sshrl.u32 s12, $0x2;
	v0 =	vld [tilespmem:s16+$0x0]  }
0x34: {  	v1 =	vld [tilespmem:s16+$0xFFFFFFE0];
	s14 =	sor.u32 $0x4000, s12  }
0x35: {  	s31 =	sshrl.u32 s13, $0x2;
	s13 =	sadd.s32 $0x0, s14  }
0x36: {  	s15 =	simm.s32 $0x4;
	s16 =	sadd.s32 $0x40, s16;
	s12 =	sor.u32 $0x4000, s31;
	[tilespmem:s13+$0x1830 ss:$0x81] =	vst.msk $0xffff, v3  }
.LBB1_3:
0x37: {  	v3 =	vld [tilespmem:s16+$0x10];
	p1 =	sne.s32 s15, $0x1FC;
	[tilespmem:s13+$0x810 ss:$0x81] =	vst.msk $0xffff, v2;
	s17 =	smov.u32 s15;
	s15 =	sadd.s32 $0x4, s15  }
.Ltmp3:
0x38: {  	v2 =	vld [tilespmem:s16+$0xFFFFFFF0];
	[tilespmem:s13+$0x1020 ss:$0x81] =	vst.msk $0xffff, v0;
	(pc) =	sbr.rel @p1 .LBB1_3-.Ltmp3, $4  }
0x39: {  	v0 =	vld [tilespmem:s16+$0x0];
	[tilespmem:s13+$0x0 ss:$0x81] =	vst.msk $0xffff, v1  }
0x3a: {  	s13 =	sshra.s32 s17, $0x2;
	v1 =	vld [tilespmem:s16+$0xFFFFFFE0]  }
0x3b: {  	s13 =	sadd.s32 s13, s14  }
0x3c: {  	s16 =	sadd.s32 $0x40, s16;
	[tilespmem:s13+$0x1830 ss:$0x81] =	vst.msk $0xffff, v3  }
.Ltmp4:
0x3d: {  	_ = 	snop;
	(pc) =	sbr.rel .LBB1_4-.Ltmp4, $1  }
0x3e: {  	_ =	sdelay $0x3  }
.LBB1_6:
0x3f: {  	_ =	sfence.sel $0x180000  }
0x40: {  	s2 =	simm.s32 $0x1;
	[bflag:$0x0] =	sbarrier.arrive $0xFFFF  }
0x41: {  	s31 =	simm.s32 $0x2;
	[sflag:s2] =	ssyncpa.u1 $0x1  }
0x42: {  	[sflag:s31] =	ssyncpa.u1 $0x1  }
0x43: {  	p0 =	sne.s32 s0, $0x0;
	_ =	strace $0x9000004A  }
0x44: {  	s0 =	sadd.s32 @!p0 $0x100000, s1;
	[bflag:$0x2] =	sbarrier.arrive $0xFFFF  }
0x45: {  	[sflag:s0] =	ssyncadd.tile.s32 @!p0 $0x1;
	_ =	shalt  }
.Lfunc_end1:
_tile_overlayer_lowered:
.L_overlay_start_2:
0x46: {  	(tag) =	ssettag $0x2  }
0x47: {  	s0 =	rddreg [dreg:$0x0];
	s2 =	stileid.u32  }
0x48: {  	s1 =	rddreg [dreg:$0x1];
	p0 =	sne.s32 s2, $0x0  }
0x49: {  	s3 =	rddreg [dreg:$0x2];
	[bflag:$0x3] =	sbarrier.arrive $0xFFFF;
	s2 =	simm.s32 @!p0 $0x1C01  }
0x4a: {  	[timem:s3], [sflag:s2] =	dma.local @!p0 [hbm:s0], s1  }
0x4b: {  	s0 =	simm.s32 @!p0 $0x1  }
0x4c: {  	_ =	swait.ge @!p0 [sflag:s0], s1  }
0x4d: {  	s1 =	ssub.s32 @!p0 $0x0, s1;
	[sflag:s0] =	ssyncset.done @!p0 $0x0  }
0x4e: {  	[sflag:s0] =	ssyncadd.s32 @!p0 s1  }
0x4f: {  	[bflag:$0x3] =	sbarrier.arrive $0xFFFF  }
0x50: {  	_ =	shalt  }

</sc_bundles>
